<compile_context>
chip_gen: v7x
topology: tpu7x:2x2x1
jax: 0.10.2.dev20260603
libtpu: 0.0.44.dev20260713+nightly
codegen_flags: <defaults>
</compile_context>

<pallas_src>
import functools

import jax
import jax.numpy as jnp
from jax import lax
from jax.experimental import pallas as pl
from jax.experimental.pallas import tpu as pltpu
from jax.experimental.pallas import tpu_sc as plsc

VOCAB = 1_000_000
EMBED_DIM = 64
BATCH = 16384
HIST = 50
B_TOT = BATCH * HIST

_NC = 2
_NS = 16
NW = _NC * _NS
B_PER_W = B_TOT // NW

NBUF = 4
CHUNK = 320
NCHUNK = B_PER_W // CHUNK
NGROUP = NCHUNK // NBUF


def _body(x_hbm, w_hbm, out_hbm, idx_v, rows_v, sem_g, sem_w):
    wid = lax.axis_index("s") * _NC + lax.axis_index("c")
    base = wid * B_PER_W
    pltpu.sync_copy(x_hbm.at[pl.ds(base, B_PER_W)], idx_v)

    def idx_slice(t):
        return idx_v.at[pl.ds(t * CHUNK, CHUNK)]

    def out_slice(t):
        return out_hbm.at[pl.ds(base + t * CHUNK, CHUNK)]

    for b in range(NBUF):
        pltpu.async_copy(w_hbm.at[idx_slice(b)], rows_v.at[b], sem_g.at[b])

    def group(g, carry):
        t0 = g * NBUF
        for b in range(NBUF):
            t = t0 + b
            pltpu.make_async_copy(
                w_hbm.at[idx_slice(t)], rows_v.at[b], sem_g.at[b]
            ).wait()
            pltpu.async_copy(rows_v.at[b], out_slice(t), sem_w.at[b])
        for b in range(NBUF):
            t = t0 + b
            pltpu.make_async_copy(
                rows_v.at[b], out_slice(t), sem_w.at[b]
            ).wait()
            pltpu.async_copy(
                w_hbm.at[idx_slice(t + NBUF)], rows_v.at[b], sem_g.at[b]
            )
        return carry

    lax.fori_loop(0, NGROUP - 1, group, 0)

    t0 = (NGROUP - 1) * NBUF
    for b in range(NBUF):
        t = t0 + b
        pltpu.make_async_copy(
            w_hbm.at[idx_slice(t)], rows_v.at[b], sem_g.at[b]
        ).wait()
        pltpu.async_copy(rows_v.at[b], out_slice(t), sem_w.at[b])
    for b in range(NBUF):
        t = t0 + b
        pltpu.make_async_copy(rows_v.at[b], out_slice(t), sem_w.at[b]).wait()


def kernel(x, weight):
    xf = x.reshape(-1)
    mesh = plsc.VectorSubcoreMesh(core_axis_name="c", subcore_axis_name="s")
    run = functools.partial(
        pl.kernel,
        mesh=mesh,
        out_type=jax.ShapeDtypeStruct((B_TOT, EMBED_DIM), jnp.float32),
        scratch_types=[
            pltpu.VMEM((B_PER_W,), jnp.int32),
            pltpu.VMEM((NBUF, CHUNK, EMBED_DIM), jnp.float32),
            pltpu.SemaphoreType.DMA((NBUF,)),
            pltpu.SemaphoreType.DMA((NBUF,)),
        ],
        compiler_params=pltpu.CompilerParams(use_tc_tiling_on_sc=False),
    )(_body)
    out = run(xf, weight)
    return out.reshape(BATCH, HIST, EMBED_DIM)

# --- scband reference (transcript-rebuilt; emitter-appended) ---
"""Pipeline reference for scband-embedding-70918499992007 (READ-ONLY COPY).

The authoritative reference and input builder live on the scoring server;
editing this copy changes nothing except your own understanding.
"""

import jax, jax.numpy as jnp
import numpy as np

VOCAB = 1000000
EMBED_DIM = 64
BATCH = 16384
HIST = 50

def setup_inputs(seed: int = 0) -> dict:
    key = jax.random.key(seed)
    k1, k2 = jax.random.split(key)
    x = jax.random.randint(k1, (BATCH, HIST), 0, VOCAB, dtype=jnp.int64 if jax.config.jax_enable_x64 else jnp.int32)
    weight = jax.random.normal(k2, (VOCAB, EMBED_DIM), dtype=jnp.float32) * 0.02
    return {"x": x, "weight": weight}

def reference(x, weight):
    # F.embedding(x, weight) -> gather rows of weight by x
    return jnp.take(weight, x, axis=0)

if __name__ == "__main__":
    import jax
    _d = setup_inputs()
    print(jax.jit(kernel)(*tuple(_d.values())))

</pallas_src>

<mosaic_0001>
#map = affine_map<(d0, d1) -> (0)>
#map1 = affine_map<(d0, d1) -> (0, 0)>
module attributes {stable_mosaic.version = 14 : i64} {
  func.func @_body(%arg0: i32, %arg1: i32, %arg2: memref<819200xi32, #tpu.memory_space<hbm>>, %arg3: memref<1000000x64xf32, #tpu.memory_space<hbm>>, %arg4: memref<819200x64xf32, #tpu.memory_space<hbm>>, %arg5: memref<25600xi32, #tpu.memory_space<vmem>>, %arg6: memref<4x320x64xf32, #tpu.memory_space<vmem>>, %arg7: memref<4x!tpu.dma_semaphore, #tpu.memory_space<semaphore_mem>>, %arg8: memref<4x!tpu.dma_semaphore, #tpu.memory_space<semaphore_mem>>) attributes {dimension_semantics = [#tpu.dimension_semantics<core_parallel>, #tpu.dimension_semantics<subcore_parallel>], iteration_bounds = array<i64: 2, 16>, scalar_prefetch = 0 : i64, scratch_operands = 4 : i64, tpu.core_type = #tpu.core_type<sc_vector_subcore>, window_params = [{transform_indices = #map}, {transform_indices = #map1}, {transform_indices = #map1}]} {
    %mul3A = arith.constant 2 : i32
    %mul3A_0 = arith.muli %arg1, %mul3A : i32
    %add3A = arith.addi %mul3A_0, %arg0 : i32
    %mul3A_1 = arith.constant 25600 : i32
    %mul3A_2 = arith.muli %add3A, %mul3A_1 : i32
    "tpu.region"() ({
      %run_scoped3A = tpu.sem_alloc : memref<!tpu.dma_semaphore, #tpu.memory_space<semaphore_mem>>
      %dma_start3A_254 = tpu.memref_slice %arg2[%mul3A_2] : memref<819200xi32, #tpu.memory_space<hbm>> -> memref<25600xi32, #tpu.memory_space<hbm>>
      %dma_start3A_255 = tpu.memref_slice %arg2[%mul3A_2] : memref<819200xi32, #tpu.memory_space<hbm>> -> memref<25600xi32, #tpu.memory_space<hbm>>
      tpu.enqueue_dma source(%dma_start3A_255 : memref<25600xi32, #tpu.memory_space<hbm>>) target(%arg5 : memref<25600xi32, #tpu.memory_space<vmem>>) target_semaphore(%run_scoped3A : memref<!tpu.dma_semaphore, #tpu.memory_space<semaphore_mem>>)
      %dma_wait3A_256 = tpu.memref_slice %arg2[%mul3A_2] : memref<819200xi32, #tpu.memory_space<hbm>> -> memref<25600xi32, #tpu.memory_space<hbm>>
      %dma_wait3A_257 = tpu.memref_slice %arg2[%mul3A_2] : memref<819200xi32, #tpu.memory_space<hbm>> -> memref<25600xi32, #tpu.memory_space<hbm>>
      tpu.wait_dma2 semaphore(%run_scoped3A : memref<!tpu.dma_semaphore, #tpu.memory_space<semaphore_mem>>) src(%dma_wait3A_257 : memref<25600xi32, #tpu.memory_space<hbm>>) dst(%arg5 : memref<25600xi32, #tpu.memory_space<vmem>>)
      tpu.yield
    }) : () -> ()
    %dma_start3A = arith.constant 0 : i32
    %dma_start3A_3 = arith.constant 0 : i32
    %dma_start3A_4 = arith.constant 0 : i32
    %dma_start3A_5 = arith.constant 0 : i32
    %dma_start3A_6 = tpu.memref_slice %arg6[%dma_start3A, %dma_start3A_4, %dma_start3A_5] : memref<4x320x64xf32, #tpu.memory_space<vmem>> -> memref<1x320x64xf32, #tpu.memory_space<vmem>>
    %dma_start3A_7 = tpu.memref_squeeze %dma_start3A_6 : memref<1x320x64xf32, #tpu.memory_space<vmem>> -> memref<320x64xf32, #tpu.memory_space<vmem>>
    %dma_start3A_8 = arith.constant 0 : i32
    %dma_start3A_9 = tpu.memref_slice %arg5[%dma_start3A_8] : memref<25600xi32, #tpu.memory_space<vmem>> -> memref<320xi32, #tpu.memory_space<vmem>>
    %dma_start3A_10 = arith.constant 0 : i32
    %dma_start3A_11 = arith.constant 0 : i32
    %dma_start3A_12 = tpu.memref_slice %arg3[%dma_start3A_10, %dma_start3A_11] : memref<1000000x64xf32, #tpu.memory_space<hbm>> -> memref<1000000x64xf32, #tpu.memory_space<hbm>>
    %dma_start3A_13 = tpu.memref_slice %arg7[%dma_start3A_3] : memref<4x!tpu.dma_semaphore, #tpu.memory_space<semaphore_mem>> -> memref<1x!tpu.dma_semaphore, #tpu.memory_space<semaphore_mem>>
    %dma_start3A_14 = tpu.memref_squeeze %dma_start3A_13 : memref<1x!tpu.dma_semaphore, #tpu.memory_space<semaphore_mem>> -> memref<!tpu.dma_semaphore, #tpu.memory_space<semaphore_mem>>
    tpu.enqueue_indirect_dma source(%dma_start3A_12 : memref<1000000x64xf32, #tpu.memory_space<hbm>>) target(%dma_start3A_7 : memref<320x64xf32, #tpu.memory_space<vmem>>) offsets(%dma_start3A_9 : memref<320xi32, #tpu.memory_space<vmem>>) semaphore(%dma_start3A_14 : memref<!tpu.dma_semaphore, #tpu.memory_space<semaphore_mem>>)
    %dma_start3A_15 = arith.constant 1 : i32
    %dma_start3A_16 = arith.constant 1 : i32
    %dma_start3A_17 = arith.constant 0 : i32
    %dma_start3A_18 = arith.constant 0 : i32
    %dma_start3A_19 = tpu.memref_slice %arg6[%dma_start3A_15, %dma_start3A_17, %dma_start3A_18] : memref<4x320x64xf32, #tpu.memory_space<vmem>> -> memref<1x320x64xf32, #tpu.memory_space<vmem>>
    %dma_start3A_20 = tpu.memref_squeeze %dma_start3A_19 : memref<1x320x64xf32, #tpu.memory_space<vmem>> -> memref<320x64xf32, #tpu.memory_space<vmem>>
    %dma_start3A_21 = arith.constant 320 : i32
    %dma_start3A_22 = tpu.memref_slice %arg5[%dma_start3A_21] : memref<25600xi32, #tpu.memory_space<vmem>> -> memref<320xi32, #tpu.memory_space<vmem>>
    %dma_start3A_23 = arith.constant 0 : i32
    %dma_start3A_24 = arith.constant 0 : i32
    %dma_start3A_25 = tpu.memref_slice %arg3[%dma_start3A_23, %dma_start3A_24] : memref<1000000x64xf32, #tpu.memory_space<hbm>> -> memref<1000000x64xf32, #tpu.memory_space<hbm>>
    %dma_start3A_26 = tpu.memref_slice %arg7[%dma_start3A_16] : memref<4x!tpu.dma_semaphore, #tpu.memory_space<semaphore_mem>> -> memref<1x!tpu.dma_semaphore, #tpu.memory_space<semaphore_mem>>
    %dma_start3A_27 = tpu.memref_squeeze %dma_start3A_26 : memref<1x!tpu.dma_semaphore, #tpu.memory_space<semaphore_mem>> -> memref<!tpu.dma_semaphore, #tpu.memory_space<semaphore_mem>>
    tpu.enqueue_indirect_dma source(%dma_start3A_25 : memref<1000000x64xf32, #tpu.memory_space<hbm>>) target(%dma_start3A_20 : memref<320x64xf32, #tpu.memory_space<vmem>>) offsets(%dma_start3A_22 : memref<320xi32, #tpu.memory_space<vmem>>) semaphore(%dma_start3A_27 : memref<!tpu.dma_semaphore, #tpu.memory_space<semaphore_mem>>)
    %dma_start3A_28 = arith.constant 2 : i32
    %dma_start3A_29 = arith.constant 2 : i32
    %dma_start3A_30 = arith.constant 0 : i32
    %dma_start3A_31 = arith.constant 0 : i32
    %dma_start3A_32 = tpu.memref_slice %arg6[%dma_start3A_28, %dma_start3A_30, %dma_start3A_31] : memref<4x320x64xf32, #tpu.memory_space<vmem>> -> memref<1x320x64xf32, #tpu.memory_space<vmem>>
    %dma_start3A_33 = tpu.memref_squeeze %dma_start3A_32 : memref<1x320x64xf32, #tpu.memory_space<vmem>> -> memref<320x64xf32, #tpu.memory_space<vmem>>
    %dma_start3A_34 = arith.constant 640 : i32
    %dma_start3A_35 = tpu.memref_slice %arg5[%dma_start3A_34] : memref<25600xi32, #tpu.memory_space<vmem>> -> memref<320xi32, #tpu.memory_space<vmem>>
    %dma_start3A_36 = arith.constant 0 : i32
    %dma_start3A_37 = arith.constant 0 : i32
    %dma_start3A_38 = tpu.memref_slice %arg3[%dma_start3A_36, %dma_start3A_37] : memref<1000000x64xf32, #tpu.memory_space<hbm>> -> memref<1000000x64xf32, #tpu.memory_space<hbm>>
    %dma_start3A_39 = tpu.memref_slice %arg7[%dma_start3A_29] : memref<4x!tpu.dma_semaphore, #tpu.memory_space<semaphore_mem>> -> memref<1x!tpu.dma_semaphore, #tpu.memory_space<semaphore_mem>>
    %dma_start3A_40 = tpu.memref_squeeze %dma_start3A_39 : memref<1x!tpu.dma_semaphore, #tpu.memory_space<semaphore_mem>> -> memref<!tpu.dma_semaphore, #tpu.memory_space<semaphore_mem>>
    tpu.enqueue_indirect_dma source(%dma_start3A_38 : memref<1000000x64xf32, #tpu.memory_space<hbm>>) target(%dma_start3A_33 : memref<320x64xf32, #tpu.memory_space<vmem>>) offsets(%dma_start3A_35 : memref<320xi32, #tpu.memory_space<vmem>>) semaphore(%dma_start3A_40 : memref<!tpu.dma_semaphore, #tpu.memory_space<semaphore_mem>>)
    %dma_start3A_41 = arith.constant 3 : i32
    %dma_start3A_42 = arith.constant 3 : i32
    %dma_start3A_43 = arith.constant 0 : i32
    %dma_start3A_44 = arith.constant 0 : i32
    %dma_start3A_45 = tpu.memref_slice %arg6[%dma_start3A_41, %dma_start3A_43, %dma_start3A_44] : memref<4x320x64xf32, #tpu.memory_space<vmem>> -> memref<1x320x64xf32, #tpu.memory_space<vmem>>
    %dma_start3A_46 = tpu.memref_squeeze %dma_start3A_45 : memref<1x320x64xf32, #tpu.memory_space<vmem>> -> memref<320x64xf32, #tpu.memory_space<vmem>>
    %dma_start3A_47 = arith.constant 960 : i32
    %dma_start3A_48 = tpu.memref_slice %arg5[%dma_start3A_47] : memref<25600xi32, #tpu.memory_space<vmem>> -> memref<320xi32, #tpu.memory_space<vmem>>
    %dma_start3A_49 = arith.constant 0 : i32
    %dma_start3A_50 = arith.constant 0 : i32
    %dma_start3A_51 = tpu.memref_slice %arg3[%dma_start3A_49, %dma_start3A_50] : memref<1000000x64xf32, #tpu.memory_space<hbm>> -> memref<1000000x64xf32, #tpu.memory_space<hbm>>
    %dma_start3A_52 = tpu.memref_slice %arg7[%dma_start3A_42] : memref<4x!tpu.dma_semaphore, #tpu.memory_space<semaphore_mem>> -> memref<1x!tpu.dma_semaphore, #tpu.memory_space<semaphore_mem>>
    %dma_start3A_53 = tpu.memref_squeeze %dma_start3A_52 : memref<1x!tpu.dma_semaphore, #tpu.memory_space<semaphore_mem>> -> memref<!tpu.dma_semaphore, #tpu.memory_space<semaphore_mem>>
    tpu.enqueue_indirect_dma source(%dma_start3A_51 : memref<1000000x64xf32, #tpu.memory_space<hbm>>) target(%dma_start3A_46 : memref<320x64xf32, #tpu.memory_space<vmem>>) offsets(%dma_start3A_48 : memref<320xi32, #tpu.memory_space<vmem>>) semaphore(%dma_start3A_53 : memref<!tpu.dma_semaphore, #tpu.memory_space<semaphore_mem>>)
    %scan3A = arith.constant 0 : i32
    %scan3A_54 = arith.constant 0 : i32
    %scan3A_55 = arith.constant 19 : i32
    %scan3A_56 = arith.addi %scan3A_54, %scan3A_55 : i32
    %scan3A_57 = arith.constant 1 : i32
    scf.for %scan3A_254 = %scan3A_54 to %scan3A_56 step %scan3A_57  : i32 {
      %mul3A_255 = arith.constant 4 : i32
      %mul3A_256 = arith.muli %scan3A_254, %mul3A_255 : i32
      %add3A_257 = arith.constant 0 : i32
      %add3A_258 = arith.addi %mul3A_256, %add3A_257 : i32
      %mul3A_259 = arith.constant 320 : i32
      %mul3A_260 = arith.muli %add3A_258, %mul3A_259 : i32
      %dma_wait3A_261 = arith.constant 0 : i32
      %dma_wait3A_262 = arith.constant 0 : i32
      %dma_wait3A_263 = arith.constant 0 : i32
      %dma_wait3A_264 = arith.constant 0 : i32
      %dma_wait3A_265 = tpu.memref_slice %arg6[%dma_wait3A_261, %dma_wait3A_263, %dma_wait3A_264] : memref<4x320x64xf32, #tpu.memory_space<vmem>> -> memref<1x320x64xf32, #tpu.memory_space<vmem>>
      %dma_wait3A_266 = tpu.memref_squeeze %dma_wait3A_265 : memref<1x320x64xf32, #tpu.memory_space<vmem>> -> memref<320x64xf32, #tpu.memory_space<vmem>>
      %dma_wait3A_267 = tpu.memref_slice %arg5[%mul3A_260] : memref<25600xi32, #tpu.memory_space<vmem>> -> memref<320xi32, #tpu.memory_space<vmem>>
      %dma_wait3A_268 = arith.constant 0 : i32
      %dma_wait3A_269 = arith.constant 0 : i32
      %dma_wait3A_270 = tpu.memref_slice %arg3[%dma_wait3A_268, %dma_wait3A_269] : memref<1000000x64xf32, #tpu.memory_space<hbm>> -> memref<1000000x64xf32, #tpu.memory_space<hbm>>
      %dma_wait3A_271 = tpu.memref_slice %arg7[%dma_wait3A_262] : memref<4x!tpu.dma_semaphore, #tpu.memory_space<semaphore_mem>> -> memref<1x!tpu.dma_semaphore, #tpu.memory_space<semaphore_mem>>
      %dma_wait3A_272 = tpu.memref_squeeze %dma_wait3A_271 : memref<1x!tpu.dma_semaphore, #tpu.memory_space<semaphore_mem>> -> memref<!tpu.dma_semaphore, #tpu.memory_space<semaphore_mem>>
      tpu.wait_indirect_dma semaphore(%dma_wait3A_272 : memref<!tpu.dma_semaphore, #tpu.memory_space<semaphore_mem>>) src(%dma_wait3A_270 : memref<1000000x64xf32, #tpu.memory_space<hbm>>) dst(%dma_wait3A_266 : memref<320x64xf32, #tpu.memory_space<vmem>>)
      %mul3A_273 = arith.constant 320 : i32
      %mul3A_274 = arith.muli %add3A_258, %mul3A_273 : i32
      %add3A_275 = arith.addi %mul3A_2, %mul3A_274 : i32
      %dma_start3A_276 = arith.constant 0 : i32
      %dma_start3A_277 = arith.constant 0 : i32
      %dma_start3A_278 = arith.constant 0 : i32
      %dma_start3A_279 = arith.constant 0 : i32
      %dma_start3A_280 = tpu.memref_slice %arg6[%dma_start3A_276, %dma_start3A_278, %dma_start3A_279] : memref<4x320x64xf32, #tpu.memory_space<vmem>> -> memref<1x320x64xf32, #tpu.memory_space<vmem>>
      %dma_start3A_281 = tpu.memref_squeeze %dma_start3A_280 : memref<1x320x64xf32, #tpu.memory_space<vmem>> -> memref<320x64xf32, #tpu.memory_space<vmem>>
      %dma_start3A_282 = arith.constant 0 : i32
      %dma_start3A_283 = tpu.memref_slice %arg4[%add3A_275, %dma_start3A_282] : memref<819200x64xf32, #tpu.memory_space<hbm>> -> memref<320x64xf32, #tpu.memory_space<hbm>>
      %dma_start3A_284 = tpu.memref_slice %arg8[%dma_start3A_277] : memref<4x!tpu.dma_semaphore, #tpu.memory_space<semaphore_mem>> -> memref<1x!tpu.dma_semaphore, #tpu.memory_space<semaphore_mem>>
      %dma_start3A_285 = tpu.memref_squeeze %dma_start3A_284 : memref<1x!tpu.dma_semaphore, #tpu.memory_space<semaphore_mem>> -> memref<!tpu.dma_semaphore, #tpu.memory_space<semaphore_mem>>
      %dma_start3A_286 = arith.constant 0 : i32
      %dma_start3A_287 = tpu.memref_slice %arg4[%add3A_275, %dma_start3A_286] : memref<819200x64xf32, #tpu.memory_space<hbm>> -> memref<320x64xf32, #tpu.memory_space<hbm>>
      %dma_start3A_288 = arith.constant 0 : i32
      %dma_start3A_289 = arith.constant 0 : i32
      %dma_start3A_290 = tpu.memref_slice %arg6[%dma_start3A_276, %dma_start3A_288, %dma_start3A_289] : memref<4x320x64xf32, #tpu.memory_space<vmem>> -> memref<1x320x64xf32, #tpu.memory_space<vmem>>
      %dma_start3A_291 = tpu.memref_squeeze %dma_start3A_290 : memref<1x320x64xf32, #tpu.memory_space<vmem>> -> memref<320x64xf32, #tpu.memory_space<vmem>>
      tpu.enqueue_dma source(%dma_start3A_291 : memref<320x64xf32, #tpu.memory_space<vmem>>) target(%dma_start3A_287 : memref<320x64xf32, #tpu.memory_space<hbm>>) target_semaphore(%dma_start3A_285 : memref<!tpu.dma_semaphore, #tpu.memory_space<semaphore_mem>>)
      %add3A_292 = arith.constant 1 : i32
      %add3A_293 = arith.addi %mul3A_256, %add3A_292 : i32
      %mul3A_294 = arith.constant 320 : i32
      %mul3A_295 = arith.muli %add3A_293, %mul3A_294 : i32
      %dma_wait3A_296 = arith.constant 1 : i32
      %dma_wait3A_297 = arith.constant 1 : i32
      %dma_wait3A_298 = arith.constant 0 : i32
      %dma_wait3A_299 = arith.constant 0 : i32
      %dma_wait3A_300 = tpu.memref_slice %arg6[%dma_wait3A_296, %dma_wait3A_298, %dma_wait3A_299] : memref<4x320x64xf32, #tpu.memory_space<vmem>> -> memref<1x320x64xf32, #tpu.memory_space<vmem>>
      %dma_wait3A_301 = tpu.memref_squeeze %dma_wait3A_300 : memref<1x320x64xf32, #tpu.memory_space<vmem>> -> memref<320x64xf32, #tpu.memory_space<vmem>>
      %dma_wait3A_302 = tpu.memref_slice %arg5[%mul3A_295] : memref<25600xi32, #tpu.memory_space<vmem>> -> memref<320xi32, #tpu.memory_space<vmem>>
      %dma_wait3A_303 = arith.constant 0 : i32
      %dma_wait3A_304 = arith.constant 0 : i32
      %dma_wait3A_305 = tpu.memref_slice %arg3[%dma_wait3A_303, %dma_wait3A_304] : memref<1000000x64xf32, #tpu.memory_space<hbm>> -> memref<1000000x64xf32, #tpu.memory_space<hbm>>
      %dma_wait3A_306 = tpu.memref_slice %arg7[%dma_wait3A_297] : memref<4x!tpu.dma_semaphore, #tpu.memory_space<semaphore_mem>> -> memref<1x!tpu.dma_semaphore, #tpu.memory_space<semaphore_mem>>
      %dma_wait3A_307 = tpu.memref_squeeze %dma_wait3A_306 : memref<1x!tpu.dma_semaphore, #tpu.memory_space<semaphore_mem>> -> memref<!tpu.dma_semaphore, #tpu.memory_space<semaphore_mem>>
      tpu.wait_indirect_dma semaphore(%dma_wait3A_307 : memref<!tpu.dma_semaphore, #tpu.memory_space<semaphore_mem>>) src(%dma_wait3A_305 : memref<1000000x64xf32, #tpu.memory_space<hbm>>) dst(%dma_wait3A_301 : memref<320x64xf32, #tpu.memory_space<vmem>>)
      %mul3A_308 = arith.constant 320 : i32
      %mul3A_309 = arith.muli %add3A_293, %mul3A_308 : i32
      %add3A_310 = arith.addi %mul3A_2, %mul3A_309 : i32
      %dma_start3A_311 = arith.constant 1 : i32
      %dma_start3A_312 = arith.constant 1 : i32
      %dma_start3A_313 = arith.constant 0 : i32
      %dma_start3A_314 = arith.constant 0 : i32
      %dma_start3A_315 = tpu.memref_slice %arg6[%dma_start3A_311, %dma_start3A_313, %dma_start3A_314] : memref<4x320x64xf32, #tpu.memory_space<vmem>> -> memref<1x320x64xf32, #tpu.memory_space<vmem>>
      %dma_start3A_316 = tpu.memref_squeeze %dma_start3A_315 : memref<1x320x64xf32, #tpu.memory_space<vmem>> -> memref<320x64xf32, #tpu.memory_space<vmem>>
      %dma_start3A_317 = arith.constant 0 : i32
      %dma_start3A_318 = tpu.memref_slice %arg4[%add3A_310, %dma_start3A_317] : memref<819200x64xf32, #tpu.memory_space<hbm>> -> memref<320x64xf32, #tpu.memory_space<hbm>>
      %dma_start3A_319 = tpu.memref_slice %arg8[%dma_start3A_312] : memref<4x!tpu.dma_semaphore, #tpu.memory_space<semaphore_mem>> -> memref<1x!tpu.dma_semaphore, #tpu.memory_space<semaphore_mem>>
      %dma_start3A_320 = tpu.memref_squeeze %dma_start3A_319 : memref<1x!tpu.dma_semaphore, #tpu.memory_space<semaphore_mem>> -> memref<!tpu.dma_semaphore, #tpu.memory_space<semaphore_mem>>
      %dma_start3A_321 = arith.constant 0 : i32
      %dma_start3A_322 = tpu.memref_slice %arg4[%add3A_310, %dma_start3A_321] : memref<819200x64xf32, #tpu.memory_space<hbm>> -> memref<320x64xf32, #tpu.memory_space<hbm>>
      %dma_start3A_323 = arith.constant 0 : i32
      %dma_start3A_324 = arith.constant 0 : i32
      %dma_start3A_325 = tpu.memref_slice %arg6[%dma_start3A_311, %dma_start3A_323, %dma_start3A_324] : memref<4x320x64xf32, #tpu.memory_space<vmem>> -> memref<1x320x64xf32, #tpu.memory_space<vmem>>
      %dma_start3A_326 = tpu.memref_squeeze %dma_start3A_325 : memref<1x320x64xf32, #tpu.memory_space<vmem>> -> memref<320x64xf32, #tpu.memory_space<vmem>>
      tpu.enqueue_dma source(%dma_start3A_326 : memref<320x64xf32, #tpu.memory_space<vmem>>) target(%dma_start3A_322 : memref<320x64xf32, #tpu.memory_space<hbm>>) target_semaphore(%dma_start3A_320 : memref<!tpu.dma_semaphore, #tpu.memory_space<semaphore_mem>>)
      %add3A_327 = arith.constant 2 : i32
      %add3A_328 = arith.addi %mul3A_256, %add3A_327 : i32
      %mul3A_329 = arith.constant 320 : i32
      %mul3A_330 = arith.muli %add3A_328, %mul3A_329 : i32
      %dma_wait3A_331 = arith.constant 2 : i32
      %dma_wait3A_332 = arith.constant 2 : i32
      %dma_wait3A_333 = arith.constant 0 : i32
      %dma_wait3A_334 = arith.constant 0 : i32
      %dma_wait3A_335 = tpu.memref_slice %arg6[%dma_wait3A_331, %dma_wait3A_333, %dma_wait3A_334] : memref<4x320x64xf32, #tpu.memory_space<vmem>> -> memref<1x320x64xf32, #tpu.memory_space<vmem>>
      %dma_wait3A_336 = tpu.memref_squeeze %dma_wait3A_335 : memref<1x320x64xf32, #tpu.memory_space<vmem>> -> memref<320x64xf32, #tpu.memory_space<vmem>>
      %dma_wait3A_337 = tpu.memref_slice %arg5[%mul3A_330] : memref<25600xi32, #tpu.memory_space<vmem>> -> memref<320xi32, #tpu.memory_space<vmem>>
      %dma_wait3A_338 = arith.constant 0 : i32
      %dma_wait3A_339 = arith.constant 0 : i32
      %dma_wait3A_340 = tpu.memref_slice %arg3[%dma_wait3A_338, %dma_wait3A_339] : memref<1000000x64xf32, #tpu.memory_space<hbm>> -> memref<1000000x64xf32, #tpu.memory_space<hbm>>
      %dma_wait3A_341 = tpu.memref_slice %arg7[%dma_wait3A_332] : memref<4x!tpu.dma_semaphore, #tpu.memory_space<semaphore_mem>> -> memref<1x!tpu.dma_semaphore, #tpu.memory_space<semaphore_mem>>
      %dma_wait3A_342 = tpu.memref_squeeze %dma_wait3A_341 : memref<1x!tpu.dma_semaphore, #tpu.memory_space<semaphore_mem>> -> memref<!tpu.dma_semaphore, #tpu.memory_space<semaphore_mem>>
      tpu.wait_indirect_dma semaphore(%dma_wait3A_342 : memref<!tpu.dma_semaphore, #tpu.memory_space<semaphore_mem>>) src(%dma_wait3A_340 : memref<1000000x64xf32, #tpu.memory_space<hbm>>) dst(%dma_wait3A_336 : memref<320x64xf32, #tpu.memory_space<vmem>>)
      %mul3A_343 = arith.constant 320 : i32
      %mul3A_344 = arith.muli %add3A_328, %mul3A_343 : i32
      %add3A_345 = arith.addi %mul3A_2, %mul3A_344 : i32
      %dma_start3A_346 = arith.constant 2 : i32
      %dma_start3A_347 = arith.constant 2 : i32
      %dma_start3A_348 = arith.constant 0 : i32
      %dma_start3A_349 = arith.constant 0 : i32
      %dma_start3A_350 = tpu.memref_slice %arg6[%dma_start3A_346, %dma_start3A_348, %dma_start3A_349] : memref<4x320x64xf32, #tpu.memory_space<vmem>> -> memref<1x320x64xf32, #tpu.memory_space<vmem>>
      %dma_start3A_351 = tpu.memref_squeeze %dma_start3A_350 : memref<1x320x64xf32, #tpu.memory_space<vmem>> -> memref<320x64xf32, #tpu.memory_space<vmem>>
      %dma_start3A_352 = arith.constant 0 : i32
      %dma_start3A_353 = tpu.memref_slice %arg4[%add3A_345, %dma_start3A_352] : memref<819200x64xf32, #tpu.memory_space<hbm>> -> memref<320x64xf32, #tpu.memory_space<hbm>>
      %dma_start3A_354 = tpu.memref_slice %arg8[%dma_start3A_347] : memref<4x!tpu.dma_semaphore, #tpu.memory_space<semaphore_mem>> -> memref<1x!tpu.dma_semaphore, #tpu.memory_space<semaphore_mem>>
      %dma_start3A_355 = tpu.memref_squeeze %dma_start3A_354 : memref<1x!tpu.dma_semaphore, #tpu.memory_space<semaphore_mem>> -> memref<!tpu.dma_semaphore, #tpu.memory_space<semaphore_mem>>
      %dma_start3A_356 = arith.constant 0 : i32
      %dma_start3A_357 = tpu.memref_slice %arg4[%add3A_345, %dma_start3A_356] : memref<819200x64xf32, #tpu.memory_space<hbm>> -> memref<320x64xf32, #tpu.memory_space<hbm>>
      %dma_start3A_358 = arith.constant 0 : i32
      %dma_start3A_359 = arith.constant 0 : i32
      %dma_start3A_360 = tpu.memref_slice %arg6[%dma_start3A_346, %dma_start3A_358, %dma_start3A_359] : memref<4x320x64xf32, #tpu.memory_space<vmem>> -> memref<1x320x64xf32, #tpu.memory_space<vmem>>
      %dma_start3A_361 = tpu.memref_squeeze %dma_start3A_360 : memref<1x320x64xf32, #tpu.memory_space<vmem>> -> memref<320x64xf32, #tpu.memory_space<vmem>>
      tpu.enqueue_dma source(%dma_start3A_361 : memref<320x64xf32, #tpu.memory_space<vmem>>) target(%dma_start3A_357 : memref<320x64xf32, #tpu.memory_space<hbm>>) target_semaphore(%dma_start3A_355 : memref<!tpu.dma_semaphore, #tpu.memory_space<semaphore_mem>>)
      %add3A_362 = arith.constant 3 : i32
      %add3A_363 = arith.addi %mul3A_256, %add3A_362 : i32
      %mul3A_364 = arith.constant 320 : i32
      %mul3A_365 = arith.muli %add3A_363, %mul3A_364 : i32
      %dma_wait3A_366 = arith.constant 3 : i32
      %dma_wait3A_367 = arith.constant 3 : i32
      %dma_wait3A_368 = arith.constant 0 : i32
      %dma_wait3A_369 = arith.constant 0 : i32
      %dma_wait3A_370 = tpu.memref_slice %arg6[%dma_wait3A_366, %dma_wait3A_368, %dma_wait3A_369] : memref<4x320x64xf32, #tpu.memory_space<vmem>> -> memref<1x320x64xf32, #tpu.memory_space<vmem>>
      %dma_wait3A_371 = tpu.memref_squeeze %dma_wait3A_370 : memref<1x320x64xf32, #tpu.memory_space<vmem>> -> memref<320x64xf32, #tpu.memory_space<vmem>>
      %dma_wait3A_372 = tpu.memref_slice %arg5[%mul3A_365] : memref<25600xi32, #tpu.memory_space<vmem>> -> memref<320xi32, #tpu.memory_space<vmem>>
      %dma_wait3A_373 = arith.constant 0 : i32
      %dma_wait3A_374 = arith.constant 0 : i32
      %dma_wait3A_375 = tpu.memref_slice %arg3[%dma_wait3A_373, %dma_wait3A_374] : memref<1000000x64xf32, #tpu.memory_space<hbm>> -> memref<1000000x64xf32, #tpu.memory_space<hbm>>
      %dma_wait3A_376 = tpu.memref_slice %arg7[%dma_wait3A_367] : memref<4x!tpu.dma_semaphore, #tpu.memory_space<semaphore_mem>> -> memref<1x!tpu.dma_semaphore, #tpu.memory_space<semaphore_mem>>
      %dma_wait3A_377 = tpu.memref_squeeze %dma_wait3A_376 : memref<1x!tpu.dma_semaphore, #tpu.memory_space<semaphore_mem>> -> memref<!tpu.dma_semaphore, #tpu.memory_space<semaphore_mem>>
      tpu.wait_indirect_dma semaphore(%dma_wait3A_377 : memref<!tpu.dma_semaphore, #tpu.memory_space<semaphore_mem>>) src(%dma_wait3A_375 : memref<1000000x64xf32, #tpu.memory_space<hbm>>) dst(%dma_wait3A_371 : memref<320x64xf32, #tpu.memory_space<vmem>>)
      %mul3A_378 = arith.constant 320 : i32
      %mul3A_379 = arith.muli %add3A_363, %mul3A_378 : i32
      %add3A_380 = arith.addi %mul3A_2, %mul3A_379 : i32
      %dma_start3A_381 = arith.constant 3 : i32
      %dma_start3A_382 = arith.constant 3 : i32
      %dma_start3A_383 = arith.constant 0 : i32
      %dma_start3A_384 = arith.constant 0 : i32
      %dma_start3A_385 = tpu.memref_slice %arg6[%dma_start3A_381, %dma_start3A_383, %dma_start3A_384] : memref<4x320x64xf32, #tpu.memory_space<vmem>> -> memref<1x320x64xf32, #tpu.memory_space<vmem>>
      %dma_start3A_386 = tpu.memref_squeeze %dma_start3A_385 : memref<1x320x64xf32, #tpu.memory_space<vmem>> -> memref<320x64xf32, #tpu.memory_space<vmem>>
      %dma_start3A_387 = arith.constant 0 : i32
      %dma_start3A_388 = tpu.memref_slice %arg4[%add3A_380, %dma_start3A_387] : memref<819200x64xf32, #tpu.memory_space<hbm>> -> memref<320x64xf32, #tpu.memory_space<hbm>>
      %dma_start3A_389 = tpu.memref_slice %arg8[%dma_start3A_382] : memref<4x!tpu.dma_semaphore, #tpu.memory_space<semaphore_mem>> -> memref<1x!tpu.dma_semaphore, #tpu.memory_space<semaphore_mem>>
      %dma_start3A_390 = tpu.memref_squeeze %dma_start3A_389 : memref<1x!tpu.dma_semaphore, #tpu.memory_space<semaphore_mem>> -> memref<!tpu.dma_semaphore, #tpu.memory_space<semaphore_mem>>
      %dma_start3A_391 = arith.constant 0 : i32
      %dma_start3A_392 = tpu.memref_slice %arg4[%add3A_380, %dma_start3A_391] : memref<819200x64xf32, #tpu.memory_space<hbm>> -> memref<320x64xf32, #tpu.memory_space<hbm>>
      %dma_start3A_393 = arith.constant 0 : i32
      %dma_start3A_394 = arith.constant 0 : i32
      %dma_start3A_395 = tpu.memref_slice %arg6[%dma_start3A_381, %dma_start3A_393, %dma_start3A_394] : memref<4x320x64xf32, #tpu.memory_space<vmem>> -> memref<1x320x64xf32, #tpu.memory_space<vmem>>
      %dma_start3A_396 = tpu.memref_squeeze %dma_start3A_395 : memref<1x320x64xf32, #tpu.memory_space<vmem>> -> memref<320x64xf32, #tpu.memory_space<vmem>>
      tpu.enqueue_dma source(%dma_start3A_396 : memref<320x64xf32, #tpu.memory_space<vmem>>) target(%dma_start3A_392 : memref<320x64xf32, #tpu.memory_space<hbm>>) target_semaphore(%dma_start3A_390 : memref<!tpu.dma_semaphore, #tpu.memory_space<semaphore_mem>>)
      %add3A_397 = arith.constant 0 : i32
      %add3A_398 = arith.addi %mul3A_256, %add3A_397 : i32
      %mul3A_399 = arith.constant 320 : i32
      %mul3A_400 = arith.muli %add3A_398, %mul3A_399 : i32
      %add3A_401 = arith.addi %mul3A_2, %mul3A_400 : i32
      %dma_wait3A_402 = arith.constant 0 : i32
      %dma_wait3A_403 = arith.constant 0 : i32
      %dma_wait3A_404 = arith.constant 0 : i32
      %dma_wait3A_405 = arith.constant 0 : i32
      %dma_wait3A_406 = tpu.memref_slice %arg6[%dma_wait3A_402, %dma_wait3A_404, %dma_wait3A_405] : memref<4x320x64xf32, #tpu.memory_space<vmem>> -> memref<1x320x64xf32, #tpu.memory_space<vmem>>
      %dma_wait3A_407 = tpu.memref_squeeze %dma_wait3A_406 : memref<1x320x64xf32, #tpu.memory_space<vmem>> -> memref<320x64xf32, #tpu.memory_space<vmem>>
      %dma_wait3A_408 = arith.constant 0 : i32
      %dma_wait3A_409 = tpu.memref_slice %arg4[%add3A_401, %dma_wait3A_408] : memref<819200x64xf32, #tpu.memory_space<hbm>> -> memref<320x64xf32, #tpu.memory_space<hbm>>
      %dma_wait3A_410 = tpu.memref_slice %arg8[%dma_wait3A_403] : memref<4x!tpu.dma_semaphore, #tpu.memory_space<semaphore_mem>> -> memref<1x!tpu.dma_semaphore, #tpu.memory_space<semaphore_mem>>
      %dma_wait3A_411 = tpu.memref_squeeze %dma_wait3A_410 : memref<1x!tpu.dma_semaphore, #tpu.memory_space<semaphore_mem>> -> memref<!tpu.dma_semaphore, #tpu.memory_space<semaphore_mem>>
      %dma_wait3A_412 = arith.constant 0 : i32
      %dma_wait3A_413 = tpu.memref_slice %arg4[%add3A_401, %dma_wait3A_412] : memref<819200x64xf32, #tpu.memory_space<hbm>> -> memref<320x64xf32, #tpu.memory_space<hbm>>
      %dma_wait3A_414 = arith.constant 0 : i32
      %dma_wait3A_415 = arith.constant 0 : i32
      %dma_wait3A_416 = tpu.memref_slice %arg6[%dma_wait3A_402, %dma_wait3A_414, %dma_wait3A_415] : memref<4x320x64xf32, #tpu.memory_space<vmem>> -> memref<1x320x64xf32, #tpu.memory_space<vmem>>
      %dma_wait3A_417 = tpu.memref_squeeze %dma_wait3A_416 : memref<1x320x64xf32, #tpu.memory_space<vmem>> -> memref<320x64xf32, #tpu.memory_space<vmem>>
      tpu.wait_dma2 semaphore(%dma_wait3A_411 : memref<!tpu.dma_semaphore, #tpu.memory_space<semaphore_mem>>) src(%dma_wait3A_417 : memref<320x64xf32, #tpu.memory_space<vmem>>) dst(%dma_wait3A_413 : memref<320x64xf32, #tpu.memory_space<hbm>>)
      %add3A_418 = arith.constant 4 : i32
      %add3A_419 = arith.addi %add3A_398, %add3A_418 : i32
      %mul3A_420 = arith.constant 320 : i32
      %mul3A_421 = arith.muli %add3A_419, %mul3A_420 : i32
      %dma_start3A_422 = arith.constant 0 : i32
      %dma_start3A_423 = arith.constant 0 : i32
      %dma_start3A_424 = arith.constant 0 : i32
      %dma_start3A_425 = arith.constant 0 : i32
      %dma_start3A_426 = tpu.memref_slice %arg6[%dma_start3A_422, %dma_start3A_424, %dma_start3A_425] : memref<4x320x64xf32, #tpu.memory_space<vmem>> -> memref<1x320x64xf32, #tpu.memory_space<vmem>>
      %dma_start3A_427 = tpu.memref_squeeze %dma_start3A_426 : memref<1x320x64xf32, #tpu.memory_space<vmem>> -> memref<320x64xf32, #tpu.memory_space<vmem>>
      %dma_start3A_428 = tpu.memref_slice %arg5[%mul3A_421] : memref<25600xi32, #tpu.memory_space<vmem>> -> memref<320xi32, #tpu.memory_space<vmem>>
      %dma_start3A_429 = arith.constant 0 : i32
      %dma_start3A_430 = arith.constant 0 : i32
      %dma_start3A_431 = tpu.memref_slice %arg3[%dma_start3A_429, %dma_start3A_430] : memref<1000000x64xf32, #tpu.memory_space<hbm>> -> memref<1000000x64xf32, #tpu.memory_space<hbm>>
      %dma_start3A_432 = tpu.memref_slice %arg7[%dma_start3A_423] : memref<4x!tpu.dma_semaphore, #tpu.memory_space<semaphore_mem>> -> memref<1x!tpu.dma_semaphore, #tpu.memory_space<semaphore_mem>>
      %dma_start3A_433 = tpu.memref_squeeze %dma_start3A_432 : memref<1x!tpu.dma_semaphore, #tpu.memory_space<semaphore_mem>> -> memref<!tpu.dma_semaphore, #tpu.memory_space<semaphore_mem>>
      tpu.enqueue_indirect_dma source(%dma_start3A_431 : memref<1000000x64xf32, #tpu.memory_space<hbm>>) target(%dma_start3A_427 : memref<320x64xf32, #tpu.memory_space<vmem>>) offsets(%dma_start3A_428 : memref<320xi32, #tpu.memory_space<vmem>>) semaphore(%dma_start3A_433 : memref<!tpu.dma_semaphore, #tpu.memory_space<semaphore_mem>>)
      %add3A_434 = arith.constant 1 : i32
      %add3A_435 = arith.addi %mul3A_256, %add3A_434 : i32
      %mul3A_436 = arith.constant 320 : i32
      %mul3A_437 = arith.muli %add3A_435, %mul3A_436 : i32
      %add3A_438 = arith.addi %mul3A_2, %mul3A_437 : i32
      %dma_wait3A_439 = arith.constant 1 : i32
      %dma_wait3A_440 = arith.constant 1 : i32
      %dma_wait3A_441 = arith.constant 0 : i32
      %dma_wait3A_442 = arith.constant 0 : i32
      %dma_wait3A_443 = tpu.memref_slice %arg6[%dma_wait3A_439, %dma_wait3A_441, %dma_wait3A_442] : memref<4x320x64xf32, #tpu.memory_space<vmem>> -> memref<1x320x64xf32, #tpu.memory_space<vmem>>
      %dma_wait3A_444 = tpu.memref_squeeze %dma_wait3A_443 : memref<1x320x64xf32, #tpu.memory_space<vmem>> -> memref<320x64xf32, #tpu.memory_space<vmem>>
      %dma_wait3A_445 = arith.constant 0 : i32
      %dma_wait3A_446 = tpu.memref_slice %arg4[%add3A_438, %dma_wait3A_445] : memref<819200x64xf32, #tpu.memory_space<hbm>> -> memref<320x64xf32, #tpu.memory_space<hbm>>
      %dma_wait3A_447 = tpu.memref_slice %arg8[%dma_wait3A_440] : memref<4x!tpu.dma_semaphore, #tpu.memory_space<semaphore_mem>> -> memref<1x!tpu.dma_semaphore, #tpu.memory_space<semaphore_mem>>
      %dma_wait3A_448 = tpu.memref_squeeze %dma_wait3A_447 : memref<1x!tpu.dma_semaphore, #tpu.memory_space<semaphore_mem>> -> memref<!tpu.dma_semaphore, #tpu.memory_space<semaphore_mem>>
      %dma_wait3A_449 = arith.constant 0 : i32
      %dma_wait3A_450 = tpu.memref_slice %arg4[%add3A_438, %dma_wait3A_449] : memref<819200x64xf32, #tpu.memory_space<hbm>> -> memref<320x64xf32, #tpu.memory_space<hbm>>
      %dma_wait3A_451 = arith.constant 0 : i32
      %dma_wait3A_452 = arith.constant 0 : i32
      %dma_wait3A_453 = tpu.memref_slice %arg6[%dma_wait3A_439, %dma_wait3A_451, %dma_wait3A_452] : memref<4x320x64xf32, #tpu.memory_space<vmem>> -> memref<1x320x64xf32, #tpu.memory_space<vmem>>
      %dma_wait3A_454 = tpu.memref_squeeze %dma_wait3A_453 : memref<1x320x64xf32, #tpu.memory_space<vmem>> -> memref<320x64xf32, #tpu.memory_space<vmem>>
      tpu.wait_dma2 semaphore(%dma_wait3A_448 : memref<!tpu.dma_semaphore, #tpu.memory_space<semaphore_mem>>) src(%dma_wait3A_454 : memref<320x64xf32, #tpu.memory_space<vmem>>) dst(%dma_wait3A_450 : memref<320x64xf32, #tpu.memory_space<hbm>>)
      %add3A_455 = arith.constant 4 : i32
      %add3A_456 = arith.addi %add3A_435, %add3A_455 : i32
      %mul3A_457 = arith.constant 320 : i32
      %mul3A_458 = arith.muli %add3A_456, %mul3A_457 : i32
      %dma_start3A_459 = arith.constant 1 : i32
      %dma_start3A_460 = arith.constant 1 : i32
      %dma_start3A_461 = arith.constant 0 : i32
      %dma_start3A_462 = arith.constant 0 : i32
      %dma_start3A_463 = tpu.memref_slice %arg6[%dma_start3A_459, %dma_start3A_461, %dma_start3A_462] : memref<4x320x64xf32, #tpu.memory_space<vmem>> -> memref<1x320x64xf32, #tpu.memory_space<vmem>>
      %dma_start3A_464 = tpu.memref_squeeze %dma_start3A_463 : memref<1x320x64xf32, #tpu.memory_space<vmem>> -> memref<320x64xf32, #tpu.memory_space<vmem>>
      %dma_start3A_465 = tpu.memref_slice %arg5[%mul3A_458] : memref<25600xi32, #tpu.memory_space<vmem>> -> memref<320xi32, #tpu.memory_space<vmem>>
      %dma_start3A_466 = arith.constant 0 : i32
      %dma_start3A_467 = arith.constant 0 : i32
      %dma_start3A_468 = tpu.memref_slice %arg3[%dma_start3A_466, %dma_start3A_467] : memref<1000000x64xf32, #tpu.memory_space<hbm>> -> memref<1000000x64xf32, #tpu.memory_space<hbm>>
      %dma_start3A_469 = tpu.memref_slice %arg7[%dma_start3A_460] : memref<4x!tpu.dma_semaphore, #tpu.memory_space<semaphore_mem>> -> memref<1x!tpu.dma_semaphore, #tpu.memory_space<semaphore_mem>>
      %dma_start3A_470 = tpu.memref_squeeze %dma_start3A_469 : memref<1x!tpu.dma_semaphore, #tpu.memory_space<semaphore_mem>> -> memref<!tpu.dma_semaphore, #tpu.memory_space<semaphore_mem>>
      tpu.enqueue_indirect_dma source(%dma_start3A_468 : memref<1000000x64xf32, #tpu.memory_space<hbm>>) target(%dma_start3A_464 : memref<320x64xf32, #tpu.memory_space<vmem>>) offsets(%dma_start3A_465 : memref<320xi32, #tpu.memory_space<vmem>>) semaphore(%dma_start3A_470 : memref<!tpu.dma_semaphore, #tpu.memory_space<semaphore_mem>>)
      %add3A_471 = arith.constant 2 : i32
      %add3A_472 = arith.addi %mul3A_256, %add3A_471 : i32
      %mul3A_473 = arith.constant 320 : i32
      %mul3A_474 = arith.muli %add3A_472, %mul3A_473 : i32
      %add3A_475 = arith.addi %mul3A_2, %mul3A_474 : i32
      %dma_wait3A_476 = arith.constant 2 : i32
      %dma_wait3A_477 = arith.constant 2 : i32
      %dma_wait3A_478 = arith.constant 0 : i32
      %dma_wait3A_479 = arith.constant 0 : i32
      %dma_wait3A_480 = tpu.memref_slice %arg6[%dma_wait3A_476, %dma_wait3A_478, %dma_wait3A_479] : memref<4x320x64xf32, #tpu.memory_space<vmem>> -> memref<1x320x64xf32, #tpu.memory_space<vmem>>
      %dma_wait3A_481 = tpu.memref_squeeze %dma_wait3A_480 : memref<1x320x64xf32, #tpu.memory_space<vmem>> -> memref<320x64xf32, #tpu.memory_space<vmem>>
      %dma_wait3A_482 = arith.constant 0 : i32
      %dma_wait3A_483 = tpu.memref_slice %arg4[%add3A_475, %dma_wait3A_482] : memref<819200x64xf32, #tpu.memory_space<hbm>> -> memref<320x64xf32, #tpu.memory_space<hbm>>
      %dma_wait3A_484 = tpu.memref_slice %arg8[%dma_wait3A_477] : memref<4x!tpu.dma_semaphore, #tpu.memory_space<semaphore_mem>> -> memref<1x!tpu.dma_semaphore, #tpu.memory_space<semaphore_mem>>
      %dma_wait3A_485 = tpu.memref_squeeze %dma_wait3A_484 : memref<1x!tpu.dma_semaphore, #tpu.memory_space<semaphore_mem>> -> memref<!tpu.dma_semaphore, #tpu.memory_space<semaphore_mem>>
      %dma_wait3A_486 = arith.constant 0 : i32
      %dma_wait3A_487 = tpu.memref_slice %arg4[%add3A_475, %dma_wait3A_486] : memref<819200x64xf32, #tpu.memory_space<hbm>> -> memref<320x64xf32, #tpu.memory_space<hbm>>
      %dma_wait3A_488 = arith.constant 0 : i32
      %dma_wait3A_489 = arith.constant 0 : i32
      %dma_wait3A_490 = tpu.memref_slice %arg6[%dma_wait3A_476, %dma_wait3A_488, %dma_wait3A_489] : memref<4x320x64xf32, #tpu.memory_space<vmem>> -> memref<1x320x64xf32, #tpu.memory_space<vmem>>
      %dma_wait3A_491 = tpu.memref_squeeze %dma_wait3A_490 : memref<1x320x64xf32, #tpu.memory_space<vmem>> -> memref<320x64xf32, #tpu.memory_space<vmem>>
      tpu.wait_dma2 semaphore(%dma_wait3A_485 : memref<!tpu.dma_semaphore, #tpu.memory_space<semaphore_mem>>) src(%dma_wait3A_491 : memref<320x64xf32, #tpu.memory_space<vmem>>) dst(%dma_wait3A_487 : memref<320x64xf32, #tpu.memory_space<hbm>>)
      %add3A_492 = arith.constant 4 : i32
      %add3A_493 = arith.addi %add3A_472, %add3A_492 : i32
      %mul3A_494 = arith.constant 320 : i32
      %mul3A_495 = arith.muli %add3A_493, %mul3A_494 : i32
      %dma_start3A_496 = arith.constant 2 : i32
      %dma_start3A_497 = arith.constant 2 : i32
      %dma_start3A_498 = arith.constant 0 : i32
      %dma_start3A_499 = arith.constant 0 : i32
      %dma_start3A_500 = tpu.memref_slice %arg6[%dma_start3A_496, %dma_start3A_498, %dma_start3A_499] : memref<4x320x64xf32, #tpu.memory_space<vmem>> -> memref<1x320x64xf32, #tpu.memory_space<vmem>>
      %dma_start3A_501 = tpu.memref_squeeze %dma_start3A_500 : memref<1x320x64xf32, #tpu.memory_space<vmem>> -> memref<320x64xf32, #tpu.memory_space<vmem>>
      %dma_start3A_502 = tpu.memref_slice %arg5[%mul3A_495] : memref<25600xi32, #tpu.memory_space<vmem>> -> memref<320xi32, #tpu.memory_space<vmem>>
      %dma_start3A_503 = arith.constant 0 : i32
      %dma_start3A_504 = arith.constant 0 : i32
      %dma_start3A_505 = tpu.memref_slice %arg3[%dma_start3A_503, %dma_start3A_504] : memref<1000000x64xf32, #tpu.memory_space<hbm>> -> memref<1000000x64xf32, #tpu.memory_space<hbm>>
      %dma_start3A_506 = tpu.memref_slice %arg7[%dma_start3A_497] : memref<4x!tpu.dma_semaphore, #tpu.memory_space<semaphore_mem>> -> memref<1x!tpu.dma_semaphore, #tpu.memory_space<semaphore_mem>>
      %dma_start3A_507 = tpu.memref_squeeze %dma_start3A_506 : memref<1x!tpu.dma_semaphore, #tpu.memory_space<semaphore_mem>> -> memref<!tpu.dma_semaphore, #tpu.memory_space<semaphore_mem>>
      tpu.enqueue_indirect_dma source(%dma_start3A_505 : memref<1000000x64xf32, #tpu.memory_space<hbm>>) target(%dma_start3A_501 : memref<320x64xf32, #tpu.memory_space<vmem>>) offsets(%dma_start3A_502 : memref<320xi32, #tpu.memory_space<vmem>>) semaphore(%dma_start3A_507 : memref<!tpu.dma_semaphore, #tpu.memory_space<semaphore_mem>>)
      %add3A_508 = arith.constant 3 : i32
      %add3A_509 = arith.addi %mul3A_256, %add3A_508 : i32
      %mul3A_510 = arith.constant 320 : i32
      %mul3A_511 = arith.muli %add3A_509, %mul3A_510 : i32
      %add3A_512 = arith.addi %mul3A_2, %mul3A_511 : i32
      %dma_wait3A_513 = arith.constant 3 : i32
      %dma_wait3A_514 = arith.constant 3 : i32
      %dma_wait3A_515 = arith.constant 0 : i32
      %dma_wait3A_516 = arith.constant 0 : i32
      %dma_wait3A_517 = tpu.memref_slice %arg6[%dma_wait3A_513, %dma_wait3A_515, %dma_wait3A_516] : memref<4x320x64xf32, #tpu.memory_space<vmem>> -> memref<1x320x64xf32, #tpu.memory_space<vmem>>
      %dma_wait3A_518 = tpu.memref_squeeze %dma_wait3A_517 : memref<1x320x64xf32, #tpu.memory_space<vmem>> -> memref<320x64xf32, #tpu.memory_space<vmem>>
      %dma_wait3A_519 = arith.constant 0 : i32
      %dma_wait3A_520 = tpu.memref_slice %arg4[%add3A_512, %dma_wait3A_519] : memref<819200x64xf32, #tpu.memory_space<hbm>> -> memref<320x64xf32, #tpu.memory_space<hbm>>
      %dma_wait3A_521 = tpu.memref_slice %arg8[%dma_wait3A_514] : memref<4x!tpu.dma_semaphore, #tpu.memory_space<semaphore_mem>> -> memref<1x!tpu.dma_semaphore, #tpu.memory_space<semaphore_mem>>
      %dma_wait3A_522 = tpu.memref_squeeze %dma_wait3A_521 : memref<1x!tpu.dma_semaphore, #tpu.memory_space<semaphore_mem>> -> memref<!tpu.dma_semaphore, #tpu.memory_space<semaphore_mem>>
      %dma_wait3A_523 = arith.constant 0 : i32
      %dma_wait3A_524 = tpu.memref_slice %arg4[%add3A_512, %dma_wait3A_523] : memref<819200x64xf32, #tpu.memory_space<hbm>> -> memref<320x64xf32, #tpu.memory_space<hbm>>
      %dma_wait3A_525 = arith.constant 0 : i32
      %dma_wait3A_526 = arith.constant 0 : i32
      %dma_wait3A_527 = tpu.memref_slice %arg6[%dma_wait3A_513, %dma_wait3A_525, %dma_wait3A_526] : memref<4x320x64xf32, #tpu.memory_space<vmem>> -> memref<1x320x64xf32, #tpu.memory_space<vmem>>
      %dma_wait3A_528 = tpu.memref_squeeze %dma_wait3A_527 : memref<1x320x64xf32, #tpu.memory_space<vmem>> -> memref<320x64xf32, #tpu.memory_space<vmem>>
      tpu.wait_dma2 semaphore(%dma_wait3A_522 : memref<!tpu.dma_semaphore, #tpu.memory_space<semaphore_mem>>) src(%dma_wait3A_528 : memref<320x64xf32, #tpu.memory_space<vmem>>) dst(%dma_wait3A_524 : memref<320x64xf32, #tpu.memory_space<hbm>>)
      %add3A_529 = arith.constant 4 : i32
      %add3A_530 = arith.addi %add3A_509, %add3A_529 : i32
      %mul3A_531 = arith.constant 320 : i32
      %mul3A_532 = arith.muli %add3A_530, %mul3A_531 : i32
      %dma_start3A_533 = arith.constant 3 : i32
      %dma_start3A_534 = arith.constant 3 : i32
      %dma_start3A_535 = arith.constant 0 : i32
      %dma_start3A_536 = arith.constant 0 : i32
      %dma_start3A_537 = tpu.memref_slice %arg6[%dma_start3A_533, %dma_start3A_535, %dma_start3A_536] : memref<4x320x64xf32, #tpu.memory_space<vmem>> -> memref<1x320x64xf32, #tpu.memory_space<vmem>>
      %dma_start3A_538 = tpu.memref_squeeze %dma_start3A_537 : memref<1x320x64xf32, #tpu.memory_space<vmem>> -> memref<320x64xf32, #tpu.memory_space<vmem>>
      %dma_start3A_539 = tpu.memref_slice %arg5[%mul3A_532] : memref<25600xi32, #tpu.memory_space<vmem>> -> memref<320xi32, #tpu.memory_space<vmem>>
      %dma_start3A_540 = arith.constant 0 : i32
      %dma_start3A_541 = arith.constant 0 : i32
      %dma_start3A_542 = tpu.memref_slice %arg3[%dma_start3A_540, %dma_start3A_541] : memref<1000000x64xf32, #tpu.memory_space<hbm>> -> memref<1000000x64xf32, #tpu.memory_space<hbm>>
      %dma_start3A_543 = tpu.memref_slice %arg7[%dma_start3A_534] : memref<4x!tpu.dma_semaphore, #tpu.memory_space<semaphore_mem>> -> memref<1x!tpu.dma_semaphore, #tpu.memory_space<semaphore_mem>>
      %dma_start3A_544 = tpu.memref_squeeze %dma_start3A_543 : memref<1x!tpu.dma_semaphore, #tpu.memory_space<semaphore_mem>> -> memref<!tpu.dma_semaphore, #tpu.memory_space<semaphore_mem>>
      tpu.enqueue_indirect_dma source(%dma_start3A_542 : memref<1000000x64xf32, #tpu.memory_space<hbm>>) target(%dma_start3A_538 : memref<320x64xf32, #tpu.memory_space<vmem>>) offsets(%dma_start3A_539 : memref<320xi32, #tpu.memory_space<vmem>>) semaphore(%dma_start3A_544 : memref<!tpu.dma_semaphore, #tpu.memory_space<semaphore_mem>>)
    }
    %scan3A_58 = arith.constant 19 : i32
    %dma_wait3A = arith.constant 0 : i32
    %dma_wait3A_59 = arith.constant 0 : i32
    %dma_wait3A_60 = arith.constant 0 : i32
    %dma_wait3A_61 = arith.constant 0 : i32
    %dma_wait3A_62 = tpu.memref_slice %arg6[%dma_wait3A, %dma_wait3A_60, %dma_wait3A_61] : memref<4x320x64xf32, #tpu.memory_space<vmem>> -> memref<1x320x64xf32, #tpu.memory_space<vmem>>
    %dma_wait3A_63 = tpu.memref_squeeze %dma_wait3A_62 : memref<1x320x64xf32, #tpu.memory_space<vmem>> -> memref<320x64xf32, #tpu.memory_space<vmem>>
    %dma_wait3A_64 = arith.constant 24320 : i32
    %dma_wait3A_65 = tpu.memref_slice %arg5[%dma_wait3A_64] : memref<25600xi32, #tpu.memory_space<vmem>> -> memref<320xi32, #tpu.memory_space<vmem>>
    %dma_wait3A_66 = arith.constant 0 : i32
    %dma_wait3A_67 = arith.constant 0 : i32
    %dma_wait3A_68 = tpu.memref_slice %arg3[%dma_wait3A_66, %dma_wait3A_67] : memref<1000000x64xf32, #tpu.memory_space<hbm>> -> memref<1000000x64xf32, #tpu.memory_space<hbm>>
    %dma_wait3A_69 = tpu.memref_slice %arg7[%dma_wait3A_59] : memref<4x!tpu.dma_semaphore, #tpu.memory_space<semaphore_mem>> -> memref<1x!tpu.dma_semaphore, #tpu.memory_space<semaphore_mem>>
    %dma_wait3A_70 = tpu.memref_squeeze %dma_wait3A_69 : memref<1x!tpu.dma_semaphore, #tpu.memory_space<semaphore_mem>> -> memref<!tpu.dma_semaphore, #tpu.memory_space<semaphore_mem>>
    tpu.wait_indirect_dma semaphore(%dma_wait3A_70 : memref<!tpu.dma_semaphore, #tpu.memory_space<semaphore_mem>>) src(%dma_wait3A_68 : memref<1000000x64xf32, #tpu.memory_space<hbm>>) dst(%dma_wait3A_63 : memref<320x64xf32, #tpu.memory_space<vmem>>)
    %add3A_71 = arith.constant 24320 : i32
    %add3A_72 = arith.addi %mul3A_2, %add3A_71 : i32
    %dma_start3A_73 = arith.constant 0 : i32
    %dma_start3A_74 = arith.constant 0 : i32
    %dma_start3A_75 = arith.constant 0 : i32
    %dma_start3A_76 = arith.constant 0 : i32
    %dma_start3A_77 = tpu.memref_slice %arg6[%dma_start3A_73, %dma_start3A_75, %dma_start3A_76] : memref<4x320x64xf32, #tpu.memory_space<vmem>> -> memref<1x320x64xf32, #tpu.memory_space<vmem>>
    %dma_start3A_78 = tpu.memref_squeeze %dma_start3A_77 : memref<1x320x64xf32, #tpu.memory_space<vmem>> -> memref<320x64xf32, #tpu.memory_space<vmem>>
    %dma_start3A_79 = arith.constant 0 : i32
    %dma_start3A_80 = tpu.memref_slice %arg4[%add3A_72, %dma_start3A_79] : memref<819200x64xf32, #tpu.memory_space<hbm>> -> memref<320x64xf32, #tpu.memory_space<hbm>>
    %dma_start3A_81 = tpu.memref_slice %arg8[%dma_start3A_74] : memref<4x!tpu.dma_semaphore, #tpu.memory_space<semaphore_mem>> -> memref<1x!tpu.dma_semaphore, #tpu.memory_space<semaphore_mem>>
    %dma_start3A_82 = tpu.memref_squeeze %dma_start3A_81 : memref<1x!tpu.dma_semaphore, #tpu.memory_space<semaphore_mem>> -> memref<!tpu.dma_semaphore, #tpu.memory_space<semaphore_mem>>
    %dma_start3A_83 = arith.constant 0 : i32
    %dma_start3A_84 = tpu.memref_slice %arg4[%add3A_72, %dma_start3A_83] : memref<819200x64xf32, #tpu.memory_space<hbm>> -> memref<320x64xf32, #tpu.memory_space<hbm>>
    %dma_start3A_85 = arith.constant 0 : i32
    %dma_start3A_86 = arith.constant 0 : i32
    %dma_start3A_87 = tpu.memref_slice %arg6[%dma_start3A_73, %dma_start3A_85, %dma_start3A_86] : memref<4x320x64xf32, #tpu.memory_space<vmem>> -> memref<1x320x64xf32, #tpu.memory_space<vmem>>
    %dma_start3A_88 = tpu.memref_squeeze %dma_start3A_87 : memref<1x320x64xf32, #tpu.memory_space<vmem>> -> memref<320x64xf32, #tpu.memory_space<vmem>>
    tpu.enqueue_dma source(%dma_start3A_88 : memref<320x64xf32, #tpu.memory_space<vmem>>) target(%dma_start3A_84 : memref<320x64xf32, #tpu.memory_space<hbm>>) target_semaphore(%dma_start3A_82 : memref<!tpu.dma_semaphore, #tpu.memory_space<semaphore_mem>>)
    %dma_wait3A_89 = arith.constant 1 : i32
    %dma_wait3A_90 = arith.constant 1 : i32
    %dma_wait3A_91 = arith.constant 0 : i32
    %dma_wait3A_92 = arith.constant 0 : i32
    %dma_wait3A_93 = tpu.memref_slice %arg6[%dma_wait3A_89, %dma_wait3A_91, %dma_wait3A_92] : memref<4x320x64xf32, #tpu.memory_space<vmem>> -> memref<1x320x64xf32, #tpu.memory_space<vmem>>
    %dma_wait3A_94 = tpu.memref_squeeze %dma_wait3A_93 : memref<1x320x64xf32, #tpu.memory_space<vmem>> -> memref<320x64xf32, #tpu.memory_space<vmem>>
    %dma_wait3A_95 = arith.constant 24640 : i32
    %dma_wait3A_96 = tpu.memref_slice %arg5[%dma_wait3A_95] : memref<25600xi32, #tpu.memory_space<vmem>> -> memref<320xi32, #tpu.memory_space<vmem>>
    %dma_wait3A_97 = arith.constant 0 : i32
    %dma_wait3A_98 = arith.constant 0 : i32
    %dma_wait3A_99 = tpu.memref_slice %arg3[%dma_wait3A_97, %dma_wait3A_98] : memref<1000000x64xf32, #tpu.memory_space<hbm>> -> memref<1000000x64xf32, #tpu.memory_space<hbm>>
    %dma_wait3A_100 = tpu.memref_slice %arg7[%dma_wait3A_90] : memref<4x!tpu.dma_semaphore, #tpu.memory_space<semaphore_mem>> -> memref<1x!tpu.dma_semaphore, #tpu.memory_space<semaphore_mem>>
    %dma_wait3A_101 = tpu.memref_squeeze %dma_wait3A_100 : memref<1x!tpu.dma_semaphore, #tpu.memory_space<semaphore_mem>> -> memref<!tpu.dma_semaphore, #tpu.memory_space<semaphore_mem>>
    tpu.wait_indirect_dma semaphore(%dma_wait3A_101 : memref<!tpu.dma_semaphore, #tpu.memory_space<semaphore_mem>>) src(%dma_wait3A_99 : memref<1000000x64xf32, #tpu.memory_space<hbm>>) dst(%dma_wait3A_94 : memref<320x64xf32, #tpu.memory_space<vmem>>)
    %add3A_102 = arith.constant 24640 : i32
    %add3A_103 = arith.addi %mul3A_2, %add3A_102 : i32
    %dma_start3A_104 = arith.constant 1 : i32
    %dma_start3A_105 = arith.constant 1 : i32
    %dma_start3A_106 = arith.constant 0 : i32
    %dma_start3A_107 = arith.constant 0 : i32
    %dma_start3A_108 = tpu.memref_slice %arg6[%dma_start3A_104, %dma_start3A_106, %dma_start3A_107] : memref<4x320x64xf32, #tpu.memory_space<vmem>> -> memref<1x320x64xf32, #tpu.memory_space<vmem>>
    %dma_start3A_109 = tpu.memref_squeeze %dma_start3A_108 : memref<1x320x64xf32, #tpu.memory_space<vmem>> -> memref<320x64xf32, #tpu.memory_space<vmem>>
    %dma_start3A_110 = arith.constant 0 : i32
    %dma_start3A_111 = tpu.memref_slice %arg4[%add3A_103, %dma_start3A_110] : memref<819200x64xf32, #tpu.memory_space<hbm>> -> memref<320x64xf32, #tpu.memory_space<hbm>>
    %dma_start3A_112 = tpu.memref_slice %arg8[%dma_start3A_105] : memref<4x!tpu.dma_semaphore, #tpu.memory_space<semaphore_mem>> -> memref<1x!tpu.dma_semaphore, #tpu.memory_space<semaphore_mem>>
    %dma_start3A_113 = tpu.memref_squeeze %dma_start3A_112 : memref<1x!tpu.dma_semaphore, #tpu.memory_space<semaphore_mem>> -> memref<!tpu.dma_semaphore, #tpu.memory_space<semaphore_mem>>
    %dma_start3A_114 = arith.constant 0 : i32
    %dma_start3A_115 = tpu.memref_slice %arg4[%add3A_103, %dma_start3A_114] : memref<819200x64xf32, #tpu.memory_space<hbm>> -> memref<320x64xf32, #tpu.memory_space<hbm>>
    %dma_start3A_116 = arith.constant 0 : i32
    %dma_start3A_117 = arith.constant 0 : i32
    %dma_start3A_118 = tpu.memref_slice %arg6[%dma_start3A_104, %dma_start3A_116, %dma_start3A_117] : memref<4x320x64xf32, #tpu.memory_space<vmem>> -> memref<1x320x64xf32, #tpu.memory_space<vmem>>
    %dma_start3A_119 = tpu.memref_squeeze %dma_start3A_118 : memref<1x320x64xf32, #tpu.memory_space<vmem>> -> memref<320x64xf32, #tpu.memory_space<vmem>>
    tpu.enqueue_dma source(%dma_start3A_119 : memref<320x64xf32, #tpu.memory_space<vmem>>) target(%dma_start3A_115 : memref<320x64xf32, #tpu.memory_space<hbm>>) target_semaphore(%dma_start3A_113 : memref<!tpu.dma_semaphore, #tpu.memory_space<semaphore_mem>>)
    %dma_wait3A_120 = arith.constant 2 : i32
    %dma_wait3A_121 = arith.constant 2 : i32
    %dma_wait3A_122 = arith.constant 0 : i32
    %dma_wait3A_123 = arith.constant 0 : i32
    %dma_wait3A_124 = tpu.memref_slice %arg6[%dma_wait3A_120, %dma_wait3A_122, %dma_wait3A_123] : memref<4x320x64xf32, #tpu.memory_space<vmem>> -> memref<1x320x64xf32, #tpu.memory_space<vmem>>
    %dma_wait3A_125 = tpu.memref_squeeze %dma_wait3A_124 : memref<1x320x64xf32, #tpu.memory_space<vmem>> -> memref<320x64xf32, #tpu.memory_space<vmem>>
    %dma_wait3A_126 = arith.constant 24960 : i32
    %dma_wait3A_127 = tpu.memref_slice %arg5[%dma_wait3A_126] : memref<25600xi32, #tpu.memory_space<vmem>> -> memref<320xi32, #tpu.memory_space<vmem>>
    %dma_wait3A_128 = arith.constant 0 : i32
    %dma_wait3A_129 = arith.constant 0 : i32
    %dma_wait3A_130 = tpu.memref_slice %arg3[%dma_wait3A_128, %dma_wait3A_129] : memref<1000000x64xf32, #tpu.memory_space<hbm>> -> memref<1000000x64xf32, #tpu.memory_space<hbm>>
    %dma_wait3A_131 = tpu.memref_slice %arg7[%dma_wait3A_121] : memref<4x!tpu.dma_semaphore, #tpu.memory_space<semaphore_mem>> -> memref<1x!tpu.dma_semaphore, #tpu.memory_space<semaphore_mem>>
    %dma_wait3A_132 = tpu.memref_squeeze %dma_wait3A_131 : memref<1x!tpu.dma_semaphore, #tpu.memory_space<semaphore_mem>> -> memref<!tpu.dma_semaphore, #tpu.memory_space<semaphore_mem>>
    tpu.wait_indirect_dma semaphore(%dma_wait3A_132 : memref<!tpu.dma_semaphore, #tpu.memory_space<semaphore_mem>>) src(%dma_wait3A_130 : memref<1000000x64xf32, #tpu.memory_space<hbm>>) dst(%dma_wait3A_125 : memref<320x64xf32, #tpu.memory_space<vmem>>)
    %add3A_133 = arith.constant 24960 : i32
    %add3A_134 = arith.addi %mul3A_2, %add3A_133 : i32
    %dma_start3A_135 = arith.constant 2 : i32
    %dma_start3A_136 = arith.constant 2 : i32
    %dma_start3A_137 = arith.constant 0 : i32
    %dma_start3A_138 = arith.constant 0 : i32
    %dma_start3A_139 = tpu.memref_slice %arg6[%dma_start3A_135, %dma_start3A_137, %dma_start3A_138] : memref<4x320x64xf32, #tpu.memory_space<vmem>> -> memref<1x320x64xf32, #tpu.memory_space<vmem>>
    %dma_start3A_140 = tpu.memref_squeeze %dma_start3A_139 : memref<1x320x64xf32, #tpu.memory_space<vmem>> -> memref<320x64xf32, #tpu.memory_space<vmem>>
    %dma_start3A_141 = arith.constant 0 : i32
    %dma_start3A_142 = tpu.memref_slice %arg4[%add3A_134, %dma_start3A_141] : memref<819200x64xf32, #tpu.memory_space<hbm>> -> memref<320x64xf32, #tpu.memory_space<hbm>>
    %dma_start3A_143 = tpu.memref_slice %arg8[%dma_start3A_136] : memref<4x!tpu.dma_semaphore, #tpu.memory_space<semaphore_mem>> -> memref<1x!tpu.dma_semaphore, #tpu.memory_space<semaphore_mem>>
    %dma_start3A_144 = tpu.memref_squeeze %dma_start3A_143 : memref<1x!tpu.dma_semaphore, #tpu.memory_space<semaphore_mem>> -> memref<!tpu.dma_semaphore, #tpu.memory_space<semaphore_mem>>
    %dma_start3A_145 = arith.constant 0 : i32
    %dma_start3A_146 = tpu.memref_slice %arg4[%add3A_134, %dma_start3A_145] : memref<819200x64xf32, #tpu.memory_space<hbm>> -> memref<320x64xf32, #tpu.memory_space<hbm>>
    %dma_start3A_147 = arith.constant 0 : i32
    %dma_start3A_148 = arith.constant 0 : i32
    %dma_start3A_149 = tpu.memref_slice %arg6[%dma_start3A_135, %dma_start3A_147, %dma_start3A_148] : memref<4x320x64xf32, #tpu.memory_space<vmem>> -> memref<1x320x64xf32, #tpu.memory_space<vmem>>
    %dma_start3A_150 = tpu.memref_squeeze %dma_start3A_149 : memref<1x320x64xf32, #tpu.memory_space<vmem>> -> memref<320x64xf32, #tpu.memory_space<vmem>>
    tpu.enqueue_dma source(%dma_start3A_150 : memref<320x64xf32, #tpu.memory_space<vmem>>) target(%dma_start3A_146 : memref<320x64xf32, #tpu.memory_space<hbm>>) target_semaphore(%dma_start3A_144 : memref<!tpu.dma_semaphore, #tpu.memory_space<semaphore_mem>>)
    %dma_wait3A_151 = arith.constant 3 : i32
    %dma_wait3A_152 = arith.constant 3 : i32
    %dma_wait3A_153 = arith.constant 0 : i32
    %dma_wait3A_154 = arith.constant 0 : i32
    %dma_wait3A_155 = tpu.memref_slice %arg6[%dma_wait3A_151, %dma_wait3A_153, %dma_wait3A_154] : memref<4x320x64xf32, #tpu.memory_space<vmem>> -> memref<1x320x64xf32, #tpu.memory_space<vmem>>
    %dma_wait3A_156 = tpu.memref_squeeze %dma_wait3A_155 : memref<1x320x64xf32, #tpu.memory_space<vmem>> -> memref<320x64xf32, #tpu.memory_space<vmem>>
    %dma_wait3A_157 = arith.constant 25280 : i32
    %dma_wait3A_158 = tpu.memref_slice %arg5[%dma_wait3A_157] : memref<25600xi32, #tpu.memory_space<vmem>> -> memref<320xi32, #tpu.memory_space<vmem>>
    %dma_wait3A_159 = arith.constant 0 : i32
    %dma_wait3A_160 = arith.constant 0 : i32
    %dma_wait3A_161 = tpu.memref_slice %arg3[%dma_wait3A_159, %dma_wait3A_160] : memref<1000000x64xf32, #tpu.memory_space<hbm>> -> memref<1000000x64xf32, #tpu.memory_space<hbm>>
    %dma_wait3A_162 = tpu.memref_slice %arg7[%dma_wait3A_152] : memref<4x!tpu.dma_semaphore, #tpu.memory_space<semaphore_mem>> -> memref<1x!tpu.dma_semaphore, #tpu.memory_space<semaphore_mem>>
    %dma_wait3A_163 = tpu.memref_squeeze %dma_wait3A_162 : memref<1x!tpu.dma_semaphore, #tpu.memory_space<semaphore_mem>> -> memref<!tpu.dma_semaphore, #tpu.memory_space<semaphore_mem>>
    tpu.wait_indirect_dma semaphore(%dma_wait3A_163 : memref<!tpu.dma_semaphore, #tpu.memory_space<semaphore_mem>>) src(%dma_wait3A_161 : memref<1000000x64xf32, #tpu.memory_space<hbm>>) dst(%dma_wait3A_156 : memref<320x64xf32, #tpu.memory_space<vmem>>)
    %add3A_164 = arith.constant 25280 : i32
    %add3A_165 = arith.addi %mul3A_2, %add3A_164 : i32
    %dma_start3A_166 = arith.constant 3 : i32
    %dma_start3A_167 = arith.constant 3 : i32
    %dma_start3A_168 = arith.constant 0 : i32
    %dma_start3A_169 = arith.constant 0 : i32
    %dma_start3A_170 = tpu.memref_slice %arg6[%dma_start3A_166, %dma_start3A_168, %dma_start3A_169] : memref<4x320x64xf32, #tpu.memory_space<vmem>> -> memref<1x320x64xf32, #tpu.memory_space<vmem>>
    %dma_start3A_171 = tpu.memref_squeeze %dma_start3A_170 : memref<1x320x64xf32, #tpu.memory_space<vmem>> -> memref<320x64xf32, #tpu.memory_space<vmem>>
    %dma_start3A_172 = arith.constant 0 : i32
    %dma_start3A_173 = tpu.memref_slice %arg4[%add3A_165, %dma_start3A_172] : memref<819200x64xf32, #tpu.memory_space<hbm>> -> memref<320x64xf32, #tpu.memory_space<hbm>>
    %dma_start3A_174 = tpu.memref_slice %arg8[%dma_start3A_167] : memref<4x!tpu.dma_semaphore, #tpu.memory_space<semaphore_mem>> -> memref<1x!tpu.dma_semaphore, #tpu.memory_space<semaphore_mem>>
    %dma_start3A_175 = tpu.memref_squeeze %dma_start3A_174 : memref<1x!tpu.dma_semaphore, #tpu.memory_space<semaphore_mem>> -> memref<!tpu.dma_semaphore, #tpu.memory_space<semaphore_mem>>
    %dma_start3A_176 = arith.constant 0 : i32
    %dma_start3A_177 = tpu.memref_slice %arg4[%add3A_165, %dma_start3A_176] : memref<819200x64xf32, #tpu.memory_space<hbm>> -> memref<320x64xf32, #tpu.memory_space<hbm>>
    %dma_start3A_178 = arith.constant 0 : i32
    %dma_start3A_179 = arith.constant 0 : i32
    %dma_start3A_180 = tpu.memref_slice %arg6[%dma_start3A_166, %dma_start3A_178, %dma_start3A_179] : memref<4x320x64xf32, #tpu.memory_space<vmem>> -> memref<1x320x64xf32, #tpu.memory_space<vmem>>
    %dma_start3A_181 = tpu.memref_squeeze %dma_start3A_180 : memref<1x320x64xf32, #tpu.memory_space<vmem>> -> memref<320x64xf32, #tpu.memory_space<vmem>>
    tpu.enqueue_dma source(%dma_start3A_181 : memref<320x64xf32, #tpu.memory_space<vmem>>) target(%dma_start3A_177 : memref<320x64xf32, #tpu.memory_space<hbm>>) target_semaphore(%dma_start3A_175 : memref<!tpu.dma_semaphore, #tpu.memory_space<semaphore_mem>>)
    %add3A_182 = arith.constant 24320 : i32
    %add3A_183 = arith.addi %mul3A_2, %add3A_182 : i32
    %dma_wait3A_184 = arith.constant 0 : i32
    %dma_wait3A_185 = arith.constant 0 : i32
    %dma_wait3A_186 = arith.constant 0 : i32
    %dma_wait3A_187 = arith.constant 0 : i32
    %dma_wait3A_188 = tpu.memref_slice %arg6[%dma_wait3A_184, %dma_wait3A_186, %dma_wait3A_187] : memref<4x320x64xf32, #tpu.memory_space<vmem>> -> memref<1x320x64xf32, #tpu.memory_space<vmem>>
    %dma_wait3A_189 = tpu.memref_squeeze %dma_wait3A_188 : memref<1x320x64xf32, #tpu.memory_space<vmem>> -> memref<320x64xf32, #tpu.memory_space<vmem>>
    %dma_wait3A_190 = arith.constant 0 : i32
    %dma_wait3A_191 = tpu.memref_slice %arg4[%add3A_183, %dma_wait3A_190] : memref<819200x64xf32, #tpu.memory_space<hbm>> -> memref<320x64xf32, #tpu.memory_space<hbm>>
    %dma_wait3A_192 = tpu.memref_slice %arg8[%dma_wait3A_185] : memref<4x!tpu.dma_semaphore, #tpu.memory_space<semaphore_mem>> -> memref<1x!tpu.dma_semaphore, #tpu.memory_space<semaphore_mem>>
    %dma_wait3A_193 = tpu.memref_squeeze %dma_wait3A_192 : memref<1x!tpu.dma_semaphore, #tpu.memory_space<semaphore_mem>> -> memref<!tpu.dma_semaphore, #tpu.memory_space<semaphore_mem>>
    %dma_wait3A_194 = arith.constant 0 : i32
    %dma_wait3A_195 = tpu.memref_slice %arg4[%add3A_183, %dma_wait3A_194] : memref<819200x64xf32, #tpu.memory_space<hbm>> -> memref<320x64xf32, #tpu.memory_space<hbm>>
    %dma_wait3A_196 = arith.constant 0 : i32
    %dma_wait3A_197 = arith.constant 0 : i32
    %dma_wait3A_198 = tpu.memref_slice %arg6[%dma_wait3A_184, %dma_wait3A_196, %dma_wait3A_197] : memref<4x320x64xf32, #tpu.memory_space<vmem>> -> memref<1x320x64xf32, #tpu.memory_space<vmem>>
    %dma_wait3A_199 = tpu.memref_squeeze %dma_wait3A_198 : memref<1x320x64xf32, #tpu.memory_space<vmem>> -> memref<320x64xf32, #tpu.memory_space<vmem>>
    tpu.wait_dma2 semaphore(%dma_wait3A_193 : memref<!tpu.dma_semaphore, #tpu.memory_space<semaphore_mem>>) src(%dma_wait3A_199 : memref<320x64xf32, #tpu.memory_space<vmem>>) dst(%dma_wait3A_195 : memref<320x64xf32, #tpu.memory_space<hbm>>)
    %add3A_200 = arith.constant 24640 : i32
    %add3A_201 = arith.addi %mul3A_2, %add3A_200 : i32
    %dma_wait3A_202 = arith.constant 1 : i32
    %dma_wait3A_203 = arith.constant 1 : i32
    %dma_wait3A_204 = arith.constant 0 : i32
    %dma_wait3A_205 = arith.constant 0 : i32
    %dma_wait3A_206 = tpu.memref_slice %arg6[%dma_wait3A_202, %dma_wait3A_204, %dma_wait3A_205] : memref<4x320x64xf32, #tpu.memory_space<vmem>> -> memref<1x320x64xf32, #tpu.memory_space<vmem>>
    %dma_wait3A_207 = tpu.memref_squeeze %dma_wait3A_206 : memref<1x320x64xf32, #tpu.memory_space<vmem>> -> memref<320x64xf32, #tpu.memory_space<vmem>>
    %dma_wait3A_208 = arith.constant 0 : i32
    %dma_wait3A_209 = tpu.memref_slice %arg4[%add3A_201, %dma_wait3A_208] : memref<819200x64xf32, #tpu.memory_space<hbm>> -> memref<320x64xf32, #tpu.memory_space<hbm>>
    %dma_wait3A_210 = tpu.memref_slice %arg8[%dma_wait3A_203] : memref<4x!tpu.dma_semaphore, #tpu.memory_space<semaphore_mem>> -> memref<1x!tpu.dma_semaphore, #tpu.memory_space<semaphore_mem>>
    %dma_wait3A_211 = tpu.memref_squeeze %dma_wait3A_210 : memref<1x!tpu.dma_semaphore, #tpu.memory_space<semaphore_mem>> -> memref<!tpu.dma_semaphore, #tpu.memory_space<semaphore_mem>>
    %dma_wait3A_212 = arith.constant 0 : i32
    %dma_wait3A_213 = tpu.memref_slice %arg4[%add3A_201, %dma_wait3A_212] : memref<819200x64xf32, #tpu.memory_space<hbm>> -> memref<320x64xf32, #tpu.memory_space<hbm>>
    %dma_wait3A_214 = arith.constant 0 : i32
    %dma_wait3A_215 = arith.constant 0 : i32
    %dma_wait3A_216 = tpu.memref_slice %arg6[%dma_wait3A_202, %dma_wait3A_214, %dma_wait3A_215] : memref<4x320x64xf32, #tpu.memory_space<vmem>> -> memref<1x320x64xf32, #tpu.memory_space<vmem>>
    %dma_wait3A_217 = tpu.memref_squeeze %dma_wait3A_216 : memref<1x320x64xf32, #tpu.memory_space<vmem>> -> memref<320x64xf32, #tpu.memory_space<vmem>>
    tpu.wait_dma2 semaphore(%dma_wait3A_211 : memref<!tpu.dma_semaphore, #tpu.memory_space<semaphore_mem>>) src(%dma_wait3A_217 : memref<320x64xf32, #tpu.memory_space<vmem>>) dst(%dma_wait3A_213 : memref<320x64xf32, #tpu.memory_space<hbm>>)
    %add3A_218 = arith.constant 24960 : i32
    %add3A_219 = arith.addi %mul3A_2, %add3A_218 : i32
    %dma_wait3A_220 = arith.constant 2 : i32
    %dma_wait3A_221 = arith.constant 2 : i32
    %dma_wait3A_222 = arith.constant 0 : i32
    %dma_wait3A_223 = arith.constant 0 : i32
    %dma_wait3A_224 = tpu.memref_slice %arg6[%dma_wait3A_220, %dma_wait3A_222, %dma_wait3A_223] : memref<4x320x64xf32, #tpu.memory_space<vmem>> -> memref<1x320x64xf32, #tpu.memory_space<vmem>>
    %dma_wait3A_225 = tpu.memref_squeeze %dma_wait3A_224 : memref<1x320x64xf32, #tpu.memory_space<vmem>> -> memref<320x64xf32, #tpu.memory_space<vmem>>
    %dma_wait3A_226 = arith.constant 0 : i32
    %dma_wait3A_227 = tpu.memref_slice %arg4[%add3A_219, %dma_wait3A_226] : memref<819200x64xf32, #tpu.memory_space<hbm>> -> memref<320x64xf32, #tpu.memory_space<hbm>>
    %dma_wait3A_228 = tpu.memref_slice %arg8[%dma_wait3A_221] : memref<4x!tpu.dma_semaphore, #tpu.memory_space<semaphore_mem>> -> memref<1x!tpu.dma_semaphore, #tpu.memory_space<semaphore_mem>>
    %dma_wait3A_229 = tpu.memref_squeeze %dma_wait3A_228 : memref<1x!tpu.dma_semaphore, #tpu.memory_space<semaphore_mem>> -> memref<!tpu.dma_semaphore, #tpu.memory_space<semaphore_mem>>
    %dma_wait3A_230 = arith.constant 0 : i32
    %dma_wait3A_231 = tpu.memref_slice %arg4[%add3A_219, %dma_wait3A_230] : memref<819200x64xf32, #tpu.memory_space<hbm>> -> memref<320x64xf32, #tpu.memory_space<hbm>>
    %dma_wait3A_232 = arith.constant 0 : i32
    %dma_wait3A_233 = arith.constant 0 : i32
    %dma_wait3A_234 = tpu.memref_slice %arg6[%dma_wait3A_220, %dma_wait3A_232, %dma_wait3A_233] : memref<4x320x64xf32, #tpu.memory_space<vmem>> -> memref<1x320x64xf32, #tpu.memory_space<vmem>>
    %dma_wait3A_235 = tpu.memref_squeeze %dma_wait3A_234 : memref<1x320x64xf32, #tpu.memory_space<vmem>> -> memref<320x64xf32, #tpu.memory_space<vmem>>
    tpu.wait_dma2 semaphore(%dma_wait3A_229 : memref<!tpu.dma_semaphore, #tpu.memory_space<semaphore_mem>>) src(%dma_wait3A_235 : memref<320x64xf32, #tpu.memory_space<vmem>>) dst(%dma_wait3A_231 : memref<320x64xf32, #tpu.memory_space<hbm>>)
    %add3A_236 = arith.constant 25280 : i32
    %add3A_237 = arith.addi %mul3A_2, %add3A_236 : i32
    %dma_wait3A_238 = arith.constant 3 : i32
    %dma_wait3A_239 = arith.constant 3 : i32
    %dma_wait3A_240 = arith.constant 0 : i32
    %dma_wait3A_241 = arith.constant 0 : i32
    %dma_wait3A_242 = tpu.memref_slice %arg6[%dma_wait3A_238, %dma_wait3A_240, %dma_wait3A_241] : memref<4x320x64xf32, #tpu.memory_space<vmem>> -> memref<1x320x64xf32, #tpu.memory_space<vmem>>
    %dma_wait3A_243 = tpu.memref_squeeze %dma_wait3A_242 : memref<1x320x64xf32, #tpu.memory_space<vmem>> -> memref<320x64xf32, #tpu.memory_space<vmem>>
    %dma_wait3A_244 = arith.constant 0 : i32
    %dma_wait3A_245 = tpu.memref_slice %arg4[%add3A_237, %dma_wait3A_244] : memref<819200x64xf32, #tpu.memory_space<hbm>> -> memref<320x64xf32, #tpu.memory_space<hbm>>
    %dma_wait3A_246 = tpu.memref_slice %arg8[%dma_wait3A_239] : memref<4x!tpu.dma_semaphore, #tpu.memory_space<semaphore_mem>> -> memref<1x!tpu.dma_semaphore, #tpu.memory_space<semaphore_mem>>
    %dma_wait3A_247 = tpu.memref_squeeze %dma_wait3A_246 : memref<1x!tpu.dma_semaphore, #tpu.memory_space<semaphore_mem>> -> memref<!tpu.dma_semaphore, #tpu.memory_space<semaphore_mem>>
    %dma_wait3A_248 = arith.constant 0 : i32
    %dma_wait3A_249 = tpu.memref_slice %arg4[%add3A_237, %dma_wait3A_248] : memref<819200x64xf32, #tpu.memory_space<hbm>> -> memref<320x64xf32, #tpu.memory_space<hbm>>
    %dma_wait3A_250 = arith.constant 0 : i32
    %dma_wait3A_251 = arith.constant 0 : i32
    %dma_wait3A_252 = tpu.memref_slice %arg6[%dma_wait3A_238, %dma_wait3A_250, %dma_wait3A_251] : memref<4x320x64xf32, #tpu.memory_space<vmem>> -> memref<1x320x64xf32, #tpu.memory_space<vmem>>
    %dma_wait3A_253 = tpu.memref_squeeze %dma_wait3A_252 : memref<1x320x64xf32, #tpu.memory_space<vmem>> -> memref<320x64xf32, #tpu.memory_space<vmem>>
    tpu.wait_dma2 semaphore(%dma_wait3A_247 : memref<!tpu.dma_semaphore, #tpu.memory_space<semaphore_mem>>) src(%dma_wait3A_253 : memref<320x64xf32, #tpu.memory_space<vmem>>) dst(%dma_wait3A_249 : memref<320x64xf32, #tpu.memory_space<hbm>>)
    return
  }
}

</mosaic_0001>

<sc_bundles>
// kernel: kernel.3.cloned.1.call-start
scs
__scs_entry_jumppad:
0x0: {  	(pc) =	sbr.rel $0x88, $3  }
0x1: {  	(tag) =	ssettag $0x0;
	lr =	simm.s32 $0x1  }
0x2: {  	[smem:$0x3F9F] =	sst lr;
	_ =	strace $0xD0000000  }
0x3: {  	_ = 	snop  }
0x4: {  	_ = 	snop  }
0x5: {  	_ = 	snop  }
0x6: {  	_ = 	snop  }
0x7: {  	_ = 	snop  }
__scs_overlays_trampoline_lowered:
0x8: {  	[smem:$0x3FAE] =	sst s0  }
0x9: {  	[smem:$0x3FAF] =	sst s1  }
0xa: {  	[smem:$0x3FB0] =	sst s2  }
0xb: {  	[smem:$0x3FB1] =	sst s3  }
0xc: {  	[smem:$0x3FB2] =	sst s4  }
0xd: {  	[smem:$0x3FB3] =	sst s5  }
0xe: {  	[smem:$0x3FB4] =	sst s6  }
0xf: {  	[smem:$0x3FB5] =	sst s7  }
0x10: {  	[smem:$0x3FB6] =	sst s8  }
0x11: {  	[smem:$0x3FB7] =	sst s9;
	s0 =	simm.s32 @!p0 $0x0  }
0x12: {  	s1 =	sld [smem:$0x3F9D];
	s0 =	simm.s32 @p0 $0x1  }
0x13: {  	[smem:$0x3FB8] =	sst s0;
	s0 =	simm.s32 @!p1 $0x0  }
0x14: {  	s2 =	sld [smem:$0x3F9C];
	s0 =	simm.s32 @p1 $0x1  }
0x15: {  	[smem:$0x3FB9] =	sst s0;
	s0 =	simm.s32 @!p2 $0x0  }
0x16: {  	s3 =	sld [smem:$0x3FDB];
	s0 =	simm.s32 @p2 $0x1  }
0x17: {  	s4 =	simm.s32 $0x1BF5;
	[smem:$0x3FBB] =	sst s0  }
0x18: {  	s0 =	sld [smem:$0x3F9E];
	_ =	swait.ge [sflag:s4], $0x0  }
0x19: {  	s7 =	sld [smem:$0x3F9F]  }
0x1a: {  	s8 =	sadd.s32 $0xFFFFE003, lr  }
0x1b: {  	s9 =	sadd.s32 $0xFFFFFEF7, lr;
	s5 =	simm.s32 $0xFFFFFFFF;
	p2 =	slt.u32 s8, $0xFFFFF086  }
0x1c: {  	p1 =	slt.u32 s9, $0xF7A;
	s5 =	simm.s32 @!p2 $0x0  }
0x1d: {  	s5 =	simm.s32 @p1 $0x1;
	p0 =	seq.s32 s7, s2  }
0x1e: {  	s7 =	smul.u32 @!p0 $0xF7A, s2;
	p2 =	seq.s32 @!p0 s5, $0x0  }
0x1f: {  	s9 =	smul.u32 $0xF7A, s1;
	s8 =	simm.s32 @!p0 $0x1BF5;
	p2 =	por !p2, p0  }
0x20: {  	[sflag:s8] =	ssyncset.s32 @!p0 $0xFFFFF086;
	s6 =	sadd.s32 @!p0 s3, s7;
	s7 =	simm.s32 @!p0 $0x108  }
0x21: {  	s3 =	sadd.s32 s3, s9;
	s6 =	sadd.s32 @!p0 $0x88, s6;
	s7 =	simm.s32 @p2 $0x1082  }
0x22: {  	[simem:s7], [sflag:s8] =	dma.local @!p0 [hbm:s6], $0xF7A  }
0x23: {  	s9 =	sor.u32 $0xD0000000, s2;
	s6 =	simm.s32 $0x108;
	_ =	swait.ge @!p0 [sflag:s8], $0x0  }
0x24: {  	s3 =	sadd.s32 $0x88, s3;
	s6 =	simm.s32 @!p1 $0x1082;
	[sflag:s4] =	ssyncset.s32 $0xFFFFF086  }
0x25: {  	[simem:s6], [sflag:s4] =	dma.local [hbm:s3], $0xF7A  }
0x26: {  	[smem:$0x3F9F] =	sst s1;
	(tag) =	ssettag s2;
	_ =	strace s9  }
0x27: {  	s1 =	sld [smem:$0x3FAF]  }
0x28: {  	s2 =	sld [smem:$0x3FB0]  }
0x29: {  	s4 =	sld [smem:$0x3FB2]  }
0x2a: {  	p0 =	seq.s32 s5, $0x0;
	s5 =	sld [smem:$0x3FB3]  }
0x2b: {  	s6 =	sld [smem:$0x3FB4]  }
0x2c: {  	s7 =	sld [smem:$0x3FB5]  }
0x2d: {  	s3 =	simm.s32 $0x108;
	s8 =	sld [smem:$0x3FB6]  }
0x2e: {  	s3 =	simm.s32 @!p0 $0x1082;
	s9 =	sld [smem:$0x3FB7]  }
0x2f: {  	lr =	sadd.s32 s0, s3;
	s0 =	sld [smem:$0x3FAE]  }
0x30: {  	s3 =	sld [smem:$0x3FB1]  }
0x31: {  	[smem:$0x3FBA] =	sst s10  }
0x32: {  	s10 =	sld [smem:$0x3FB8];
	_ =	sdelay $0x3  }
0x33: {  	p0 =	seq.s32 s10, $0x1;
	s10 =	sld [smem:$0x3FBA];
	_ =	sdelay $0x3  }
0x34: {  	[smem:$0x3FBA] =	sst s10  }
0x35: {  	s10 =	sld [smem:$0x3FB9];
	_ =	sdelay $0x3  }
0x36: {  	p1 =	seq.s32 s10, $0x1;
	s10 =	sld [smem:$0x3FBA];
	_ =	sdelay $0x3  }
0x37: {  	[smem:$0x3FBA] =	sst s10  }
0x38: {  	s10 =	sld [smem:$0x3FBB]  }
0x39: {  	_ = 	snop;
	(pc) =	sbr.ind lr, $3  }
0x3a: {  	_ = 	snop  }
0x3b: {  	_ = 	snop  }
0x3c: {  	p2 =	seq.s32 s10, $0x1;
	s10 =	sld [smem:$0x3FBA]  }
0x3d: {  	_ =	shalt  }
0x3e: {  	_ =	shalt  }
0x3f: {  	_ =	shalt  }
0x40: {  	_ =	shalt  }
0x41: {  	_ =	shalt  }
0x42: {  	_ =	shalt  }
0x43: {  	_ =	shalt  }
0x44: {  	_ =	shalt  }
0x45: {  	_ =	shalt  }
0x46: {  	_ =	shalt  }
0x47: {  	_ =	shalt  }
0x48: {  	_ =	shalt  }
0x49: {  	_ =	shalt  }
0x4a: {  	_ =	shalt  }
0x4b: {  	_ =	shalt  }
0x4c: {  	_ =	shalt  }
0x4d: {  	_ =	shalt  }
0x4e: {  	_ =	shalt  }
0x4f: {  	_ =	shalt  }
0x50: {  	_ =	shalt  }
0x51: {  	_ =	shalt  }
0x52: {  	_ =	shalt  }
0x53: {  	_ =	shalt  }
0x54: {  	_ =	shalt  }
0x55: {  	_ =	shalt  }
0x56: {  	_ =	shalt  }
0x57: {  	_ =	shalt  }
0x58: {  	_ =	shalt  }
0x59: {  	_ =	shalt  }
0x5a: {  	_ =	shalt  }
0x5b: {  	_ =	shalt  }
0x5c: {  	_ =	shalt  }
0x5d: {  	_ =	shalt  }
0x5e: {  	_ =	shalt  }
0x5f: {  	_ =	shalt  }
0x60: {  	_ =	shalt  }
0x61: {  	_ =	shalt  }
0x62: {  	_ =	shalt  }
0x63: {  	_ =	shalt  }
0x64: {  	_ =	shalt  }
0x65: {  	_ =	shalt  }
0x66: {  	_ =	shalt  }
0x67: {  	_ =	shalt  }
0x68: {  	_ =	shalt  }
0x69: {  	_ =	shalt  }
0x6a: {  	_ =	shalt  }
0x6b: {  	_ =	shalt  }
0x6c: {  	_ =	shalt  }
0x6d: {  	_ =	shalt  }
0x6e: {  	_ =	shalt  }
0x6f: {  	_ =	shalt  }
0x70: {  	_ =	shalt  }
0x71: {  	_ =	shalt  }
0x72: {  	_ =	shalt  }
0x73: {  	_ =	shalt  }
0x74: {  	_ =	shalt  }
0x75: {  	_ =	shalt  }
0x76: {  	_ =	shalt  }
0x77: {  	_ =	shalt  }
0x78: {  	_ =	shalt  }
0x79: {  	_ =	shalt  }
0x7a: {  	_ =	shalt  }
0x7b: {  	_ =	shalt  }
0x7c: {  	_ =	shalt  }
0x7d: {  	_ =	shalt  }
0x7e: {  	_ =	shalt  }
0x7f: {  	_ =	shalt  }
0x80: {  	_ =	shalt  }
0x81: {  	_ =	shalt  }
0x82: {  	_ =	shalt  }
0x83: {  	_ =	shalt  }
0x84: {  	_ =	shalt  }
0x85: {  	_ =	shalt  }
0x86: {  	_ =	shalt  }
0x87: {  	_ =	shalt  }
.Lfunc_end0:
.L_simem_size_0:
called_computation.1_lowered:
.L_overlay_start_0:
0x88: {  	s2 =	sld [smem:$0x3FD9]  }
0x89: {  	s3 =	sld [smem:$0x3FFE];
	_ =	sdelay $0x1  }
0x8a: {  	s1 =	srdreg.scid  }
0x8b: {  	s0 =	sand.u32 $0x1, s1  }
0x8c: {  	s17 =	sshll.u32 s0, $0xA;
	s2 =	sadd.s32 s3, s2  }
0x8d: {  	s2 =	sadd.s32 s2, s17  }
0x8e: {  	[smem:$0x3FC6] =	sst s2  }
0x8f: {  	_ = 	snop  }
0x90: {  	s2 =	sld [smem:$0x3FD0];
	(tm) =	ssettm $0x1  }
0x91: {  	s18 =	sld [smem:$0x3FFB];
	_ =	sdelay $0x3  }
0x92: {  	_ =	strace s18  }
0x93: {  	s3 =	sld [smem:$0x3FFC];
	_ =	sdelay $0x3  }
0x94: {  	_ =	strace s3  }
0x95: {  	s3 =	sld [smem:$0x3FFD];
	_ =	sdelay $0x3  }
0x96: {  	_ =	strace s3  }
0x97: {  	_ =	strace $0x8FFFFFFF  }
0x98: {  	s19 =	sld [smem:$0x3FDB];
	_ =	sdelay $0x1  }
0x99: {  	s4 =	simm.s32 $_scs_section_size  }
0x9a: {  	s5 =	simm.s32 $_size__tile_overlayer_lowered;
	s6 =	simm.s32 $_tile_overlayer_lowered  }
0x9b: {  	s22 =	simm.s32 $0x1BFF;
	s21 =	sshll.u32 s6, $0x1;
	s3 =	sadd.s32 s4, s19  }
0x9c: {  	s7 =	simm.s32 $0x0;
	s20 =	sshll.u32 s5, $0x1;
	s5 =	sadd.s32 s21, s3  }
0x9d: {  	[timem:s7], [sflag:s22] =	dma.local [hbm:s5], s20  }
0x9e: {  	_ =	swait.ge [sflag:s22], s20  }
0x9f: {  	s4 =	ssub.s32 $0x0, s20;
	[sflag:s22] =	ssyncset.done $0x0  }
0xa0: {  	[sflag:s22] =	ssyncadd.s32 s4;
	_ =	sdelay $0x1  }
0xa1: {  	s23 =	simm.s32 $0x1B8B  }
0xa2: {  	_ =	swait.ge [sflag:s23], $0x1  }
0xa3: {  	[sflag:s23] =	ssyncset.done $0x0  }
0xa4: {  	s25 =	simm.s32 $0x1B8E;
	s24 =	sld [smem:$0x3FFE];
	[sflag:s23] =	ssyncadd.s32 $0xFFFFFFFF  }
0xa5: {  	s26 =	simm.s32 $execute0_lowered;
	[smem:$0x3FD2] =	sst s25  }
0xa6: {  	s5 =	sshll.u32 s26, $0x1;
	_ =	strace $0x80000046;
	[dreg:$0x1] =	wrdreg $0xFFFFFFFF  }
0xa7: {  	s28 =	simm.s32 $_size_execute0_lowered;
	s3 =	sadd.s32 s3, s5;
	[dreg:$0x0] =	wrdreg $0x0  }
0xa8: {  	s5 =	sshll.u32 s28, $0x1;
	[dreg:$0x2] =	wrdreg s3  }
0xa9: {  	[dreg:$0x3] =	wrdreg s5  }
0xaa: {  	[dreg:$0x4] =	wrdreg $0xC0  }
0xab: {  	_ =	task [dreg:s7], $0x5FFFF  }
0xac: {  	[dreg:$0x1] =	wrdreg $0xFFFFFFFF  }
0xad: {  	[dreg:$0x0] =	wrdreg $0x60  }
0xae: {  	[dreg:$0x2] =	wrdreg s24  }
0xaf: {  	[dreg:$0x3] =	wrdreg s2  }
0xb0: {  	[dreg:$0x4] =	wrdreg $0x9  }
0xb1: {  	_ =	task.clear_ibuf [dreg:s7], $0x5FFFF;
	_ =	strace $0x90000046  }
0xb2: {  	s29 =	simm.s32 $0x9;
	_ =	strace $0x80000048  }
0xb3: {  	_ =	swait.ge [sflag:s29], $0x1  }
0xb4: {  	[sflag:s29] =	ssyncadd.s32 $0xFFFFFFFF  }
0xb5: {  	_ =	strace $0x90000048  }
0xb6: {  	_ =	sfence  }
0xb7: {  	s30 =	sld [smem:$0x0];
	_ =	sdelay $0x2  }
0xb8: {  	s31 =	sshll.u32 s1, $0xD;
	s1 =	sshrl.u32 s1, $0x2  }
0xb9: {  	s3 =	sand.u32 $0x4000, s31;
	s1 =	sadd.s32 s1, s30  }
0xba: {  	s0 =	sor.u32 s3, s0;
	s1 =	sshll.u32 s1, $0x11  }
0xbb: {  	s0 =	sor.u32 s1, s0  }
0xbc: {  	s0 =	sadd.s32 $0x8F2B, s0  }
0xbd: {  	[sflag:s0] =	ssyncadd.remote.s32 $0x1  }
0xbe: {  	_ =	sfence.sel $0xFFFF  }
0xbf: {  	[dreg:$0x0] =	wrdreg $0xFFFFFFFF;
	(pc) =	sbr.abs _section_cstart, $3  }
0xc0: {  	[dreg:$0x1] =	wrdreg $0xFFFFFFFF  }
0xc1: {  	_ =	task.clear_ibuf [dreg:s7], $0x2FFFF;
	_ =	strace $0x9FFFFFFF  }
0xc2: {  	(tm) =	ssettm $0x7FFFFFFF  }
0xc3: {  	_ =	shalt  }
tec
execute0_lowered:
.L_overlay_start_1:
0x0: {  	(tag) =	ssettag $0x1  }
0x1: {  	s0 =	srdreg.scid;
	s1 =	rddreg [dreg:$0x0]  }
0x2: {  	s11 =	stileid.u32;
	s4 =	rddreg [dreg:$0x1];
	s14 =	simm.s32 $0x9  }
0x3: {  	s15 =	simm.s32 $0x140;
	s16 =	simm.s32 $0x6400;
	s17 =	simm.s32 $0xB400  }
0x4: {  	s19 =	simm.s32 $0x10400;
	s28 =	simm.s32 $0x6;
	s7 =	smul.u32 $0xC800, s11  }
0x5: {  	s29 =	simm.s32 $0x7;
	s0 =	sand.u32 $0x1, s0;
	s13 =	smul.u32 $0x64000, s11  }
0x6: {  	s30 =	simm.s32 $0x8;
	s2 =	sshll.u32 s11, $0x1;
	s10 =	smul.u32 $0x6400, s0  }
0x7: {  	s3 =	sor.u32 s0, s2;
	s6 =	ssub.s32 $0x2, s0;
	s0 =	smul.u32 $0x32000, s0  }
0x8: {  	s31 =	simm.s32 $0x0;
	s2 =	simm.s32 $0x0;
	s5 =	smul.u32 $0x6400, s3  }
0x9: {  	[smem:$0x7FF] =	sst s2;
	s3 =	smul.u32 $0x190000, s3;
	s8 =	sshrl.u32 s6, $0x1  }
0xa: {  	s26 =	sadd.s32 s13, s4;
	_ =	strace $0x80000047;
	s21 =	ssub.s32 s6, s8  }
0xb: {  	s24 =	sadd.s32 s10, s7;
	s13 =	sadd.s32 s0, s26;
	s26 =	simm.s32 $0x5  }
0xc: {  	s5 =	sshrl.u32 s5, $0x3;
	s9 =	sshrl.u32 s3, $0x3;
	s3 =	sadd.s32 $0xF42E00, s1  }
0xd: {  	s5 =	sadd.s32 s5, s1;
	s22 =	sadd.s32 s4, s9;
	s9 =	smax.u32 s21, $0x1  }
0xe: {  	s21 =	simm.s32 $0x15400;
	s5 =	sadd.s32 $0xA00, s5;
	s23 =	sadd.s32 $0x2F800, s22  }
0xf: {  	s25 =	sadd.s32 $0x30200, s22;
	s7 =	sadd.s32 $0x30C00, s22;
	[dreg:$0x3] =	wrdreg s5  }
0x10: {  	s8 =	sadd.s32 $0x31600, s22;
	s22 =	simm.s32 $0x1;
	[dreg:$0x4] =	wrdreg s23  }
0x11: {  	[dreg:$0x5] =	wrdreg s25;
	s5 =	sshll.u32 s24, $0x3;
	s23 =	simm.s32 $0x2  }
0x12: {  	s24 =	simm.s32 $0x3;
	s25 =	simm.s32 $0x4;
	s5 =	sadd.s32 s5, s4  }
0x13: {  	s10 =	sadd.s32 $0x1E00, s5;
	s11 =	sadd.s32 $0x1400, s5;
	s12 =	sadd.s32 $0xA00, s5  }
.LBB2_1:
0x14: {  	s0 =	rddreg [dreg:$0x3]  }
0x15: {  	[tilespmem:s2], [sflag:$0x9] =	stream.linear.gather [hbm4b:s0+s2], $0x6400, $0x38;
	[tilespmem:$0x1A400] =	vst v63  }
0x16: {  	_ =	swait.ge [sflag:s14], $0x6400  }
0x17: {  	[sflag:s14] =	ssyncset.done $0x0  }
0x18: {  	[sflag:s14] =	ssyncadd.s32 $0xFFFF9C00  }
0x19: {  	[tilespmem:s16], [sflag:$0x1] =	stream.indirect.gather [hbm4b:s3+s15], $0x40, s2, s15, $0xb8;
	[tilespmem:$0x1A400] =	vst v63  }
0x1a: {  	_ = 	snop  }
0x1b: {  	[tilespmem:s17], [sflag:$0x2] =	stream.indirect.gather [hbm4b:s3+s15], $0x40, s15, s15, $0xb8;
	[tilespmem:$0x1A400] =	vst v63  }
0x1c: {  	s4 =	simm.s32 $0x280  }
0x1d: {  	[tilespmem:s19], [sflag:$0x3] =	stream.indirect.gather [hbm4b:s3+s15], $0x40, s4, s15, $0xb8;
	[tilespmem:$0x1A400] =	vst v63  }
0x1e: {  	s5 =	simm.s32 $0x3C0  }
0x1f: {  	[tilespmem:s21], [sflag:$0x4] =	stream.indirect.gather [hbm4b:s3+s15], $0x40, s5, s15, $0xb8;
	[tilespmem:$0x1A400] =	vst v63  }
0x20: {  	_ =	swait.ge [sflag:s22], $0x5000  }
0x21: {  	[sflag:s22] =	ssyncset.done $0x0  }
0x22: {  	[sflag:s22] =	ssyncadd.s32 $0xFFFFB000  }
0x23: {  	[hbm4b:s13+s2] =	stream.linear.scatter [tilespmem:s16], [sflag:$0x5], $0x5000, $0x38;
	[tilespmem:$0x1A400] =	vst v63  }
0x24: {  	_ =	swait.ge [sflag:s23], $0x5000  }
0x25: {  	[sflag:s23] =	ssyncset.done $0x0  }
0x26: {  	[sflag:s23] =	ssyncadd.s32 $0xFFFFB000  }
0x27: {  	[hbm4b:s12+s2] =	stream.linear.scatter [tilespmem:s17], [sflag:$0x6], $0x5000, $0x38;
	[tilespmem:$0x1A400] =	vst v63  }
0x28: {  	_ =	swait.ge [sflag:s24], $0x5000  }
0x29: {  	[sflag:s24] =	ssyncset.done $0x0  }
0x2a: {  	[sflag:s24] =	ssyncadd.s32 $0xFFFFB000  }
0x2b: {  	[hbm4b:s11+s2] =	stream.linear.scatter [tilespmem:s19], [sflag:$0x7], $0x5000, $0x38;
	[tilespmem:$0x1A400] =	vst v63  }
0x2c: {  	_ =	swait.ge [sflag:s25], $0x5000  }
0x2d: {  	[sflag:s25] =	ssyncset.done $0x0  }
0x2e: {  	[sflag:s25] =	ssyncadd.s32 $0xFFFFB000  }
0x2f: {  	[hbm4b:s10+s2] =	stream.linear.scatter [tilespmem:s21], [sflag:$0x8], $0x5000, $0x38;
	[tilespmem:$0x1A400] =	vst v63  }
0x30: {  	_ =	swait.ge [sflag:s26], $0x5000  }
0x31: {  	[sflag:s26] =	ssyncset.done $0x0  }
0x32: {  	s6 =	simm.s32 $0x500;
	[sflag:s26] =	ssyncadd.s32 $0xFFFFB000  }
0x33: {  	[tilespmem:s16], [sflag:$0x1] =	stream.indirect.gather [hbm4b:s3+s15], $0x40, s6, s15, $0xb8;
	[tilespmem:$0x1A400] =	vst v63  }
0x34: {  	_ =	swait.ge [sflag:s28], $0x5000  }
0x35: {  	[sflag:s28] =	ssyncset.done $0x0  }
0x36: {  	s18 =	simm.s32 $0x640;
	[sflag:s28] =	ssyncadd.s32 $0xFFFFB000  }
0x37: {  	[tilespmem:s17], [sflag:$0x2] =	stream.indirect.gather [hbm4b:s3+s15], $0x40, s18, s15, $0xb8;
	[tilespmem:$0x1A400] =	vst v63  }
0x38: {  	_ =	swait.ge [sflag:s29], $0x5000  }
0x39: {  	[sflag:s29] =	ssyncset.done $0x0  }
0x3a: {  	s20 =	simm.s32 $0x780;
	[sflag:s29] =	ssyncadd.s32 $0xFFFFB000  }
0x3b: {  	[tilespmem:s19], [sflag:$0x3] =	stream.indirect.gather [hbm4b:s3+s15], $0x40, s20, s15, $0xb8;
	[tilespmem:$0x1A400] =	vst v63  }
0x3c: {  	s1 =	simm.s32 $0x1400;
	s0 =	sadd.s32 $0x2800, s13;
	_ =	swait.ge [sflag:s30], $0x5000  }
0x3d: {  	s4 =	sadd.s32 $0x2800, s10;
	s5 =	simm.s32 $0x8C0;
	[sflag:s30] =	ssyncset.done $0x0  }
0x3e: {  	s18 =	sadd.s32 $0x2800, s11;
	s20 =	sadd.s32 $0x2800, s12;
	[sflag:s30] =	ssyncadd.s32 $0xFFFFB000  }
.LBB2_2:
0x3f: {  	[tilespmem:s21], [sflag:$0x4] =	stream.indirect.gather [hbm4b:s3+s15], $0x40, s5, s15, $0xb8;
	[tilespmem:$0x1A400] =	vst v63  }
0x40: {  	s5 =	smov.u32 s1  }
0x41: {  	p0 =	sne.s32 s1, $0x16800;
	s1 =	sadd.s32 $0x1400, s1;
	_ =	swait.ge [sflag:s22], $0x5000  }
0x42: {  	[sflag:s22] =	ssyncset.done $0x0  }
0x43: {  	[sflag:s22] =	ssyncadd.s32 $0xFFFFB000  }
0x44: {  	[hbm4b:s0+s2] =	stream.linear.scatter [tilespmem:s16], [sflag:$0x5], $0x5000, $0x38;
	[tilespmem:$0x1A400] =	vst v63  }
0x45: {  	_ =	swait.ge [sflag:s23], $0x5000  }
0x46: {  	[sflag:s23] =	ssyncset.done $0x0  }
0x47: {  	[sflag:s23] =	ssyncadd.s32 $0xFFFFB000  }
0x48: {  	[hbm4b:s20+s2] =	stream.linear.scatter [tilespmem:s17], [sflag:$0x6], $0x5000, $0x38;
	[tilespmem:$0x1A400] =	vst v63  }
0x49: {  	_ =	swait.ge [sflag:s24], $0x5000  }
0x4a: {  	[sflag:s24] =	ssyncset.done $0x0  }
0x4b: {  	[sflag:s24] =	ssyncadd.s32 $0xFFFFB000  }
0x4c: {  	[hbm4b:s18+s2] =	stream.linear.scatter [tilespmem:s19], [sflag:$0x7], $0x5000, $0x38;
	[tilespmem:$0x1A400] =	vst v63  }
0x4d: {  	_ =	swait.ge [sflag:s25], $0x5000  }
0x4e: {  	[sflag:s25] =	ssyncset.done $0x0  }
0x4f: {  	[sflag:s25] =	ssyncadd.s32 $0xFFFFB000  }
0x50: {  	[hbm4b:s4+s2] =	stream.linear.scatter [tilespmem:s21], [sflag:$0x8], $0x5000, $0x38;
	[tilespmem:$0x1A400] =	vst v63  }
0x51: {  	_ =	swait.ge [sflag:s26], $0x5000  }
0x52: {  	s5 =	sshra.s32 s5, $0x2;
	[sflag:s26] =	ssyncset.done $0x0  }
0x53: {  	s6 =	sadd.s32 $0x500, s5;
	[sflag:s26] =	ssyncadd.s32 $0xFFFFB000  }
0x54: {  	[tilespmem:s16], [sflag:$0x1] =	stream.indirect.gather [hbm4b:s3+s15], $0x40, s6, s15, $0xb8;
	[tilespmem:$0x1A400] =	vst v63  }
0x55: {  	_ =	swait.ge [sflag:s28], $0x5000  }
0x56: {  	[sflag:s28] =	ssyncset.done $0x0  }
0x57: {  	s6 =	sadd.s32 $0x640, s5;
	[sflag:s28] =	ssyncadd.s32 $0xFFFFB000  }
0x58: {  	[tilespmem:s17], [sflag:$0x2] =	stream.indirect.gather [hbm4b:s3+s15], $0x40, s6, s15, $0xb8;
	[tilespmem:$0x1A400] =	vst v63  }
0x59: {  	_ =	swait.ge [sflag:s29], $0x5000  }
0x5a: {  	[sflag:s29] =	ssyncset.done $0x0  }
.Ltmp0:
0x5b: {  	s6 =	sadd.s32 $0x780, s5;
	[sflag:s29] =	ssyncadd.s32 $0xFFFFB000;
	(pc) =	sbr.rel @p0 .LBB2_2-.Ltmp0, $4  }
0x5c: {  	[tilespmem:s19], [sflag:$0x3] =	stream.indirect.gather [hbm4b:s3+s15], $0x40, s6, s15, $0xb8;
	[tilespmem:$0x1A400] =	vst v63  }
0x5d: {  	s0 =	sadd.s32 $0x2800, s0;
	_ =	swait.ge [sflag:s30], $0x5000  }
0x5e: {  	s20 =	sadd.s32 $0x2800, s20;
	s18 =	sadd.s32 $0x2800, s18;
	[sflag:s30] =	ssyncset.done $0x0  }
0x5f: {  	s4 =	sadd.s32 $0x2800, s4;
	s5 =	sadd.s32 $0x8C0, s5;
	[sflag:s30] =	ssyncadd.s32 $0xFFFFB000  }
0x60: {  	[tilespmem:s21], [sflag:$0x4] =	stream.indirect.gather [hbm4b:s3+s15], $0x40, s5, s15, $0xb8;
	[tilespmem:$0x1A400] =	vst v63  }
0x61: {  	_ =	swait.ge [sflag:s22], $0x5000  }
0x62: {  	[sflag:s22] =	ssyncset.done $0x0  }
0x63: {  	s0 =	rddreg [dreg:$0x4];
	[sflag:s22] =	ssyncadd.s32 $0xFFFFB000  }
0x64: {  	[hbm4b:s0+s2] =	stream.linear.scatter [tilespmem:s16], [sflag:$0x5], $0x5000, $0x38;
	[tilespmem:$0x1A400] =	vst v63  }
0x65: {  	_ =	swait.ge [sflag:s23], $0x5000  }
0x66: {  	[sflag:s23] =	ssyncset.done $0x0  }
0x67: {  	s20 =	rddreg [dreg:$0x5];
	[sflag:s23] =	ssyncadd.s32 $0xFFFFB000  }
0x68: {  	[hbm4b:s20+s2] =	stream.linear.scatter [tilespmem:s17], [sflag:$0x6], $0x5000, $0x38;
	[tilespmem:$0x1A400] =	vst v63  }
0x69: {  	_ =	swait.ge [sflag:s24], $0x5000  }
0x6a: {  	[sflag:s24] =	ssyncset.done $0x0  }
0x6b: {  	[sflag:s24] =	ssyncadd.s32 $0xFFFFB000  }
0x6c: {  	[hbm4b:s7+s2] =	stream.linear.scatter [tilespmem:s19], [sflag:$0x7], $0x5000, $0x38;
	[tilespmem:$0x1A400] =	vst v63  }
0x6d: {  	_ =	swait.ge [sflag:s25], $0x5000  }
0x6e: {  	[sflag:s25] =	ssyncset.done $0x0  }
0x6f: {  	[sflag:s25] =	ssyncadd.s32 $0xFFFFB000  }
0x70: {  	[hbm4b:s8+s2] =	stream.linear.scatter [tilespmem:s21], [sflag:$0x8], $0x5000, $0x38;
	[tilespmem:$0x1A400] =	vst v63  }
0x71: {  	_ =	swait.ge [sflag:s26], $0x5000  }
0x72: {  	[sflag:s26] =	ssyncset.done $0x0  }
0x73: {  	[sflag:s26] =	ssyncadd.s32 $0xFFFFB000  }
0x74: {  	_ =	swait.ge [sflag:s28], $0x5000  }
0x75: {  	[sflag:s28] =	ssyncset.done $0x0  }
0x76: {  	s31 =	sadd.s32 $0x1, s31;
	[sflag:s28] =	ssyncadd.s32 $0xFFFFB000  }
0x77: {  	p0 =	sne.s32 s31, s9;
	_ =	swait.ge [sflag:s29], $0x5000  }
.Ltmp1:
0x78: {  	[sflag:s29] =	ssyncset.done $0x0;
	(pc) =	sbr.rel @p0 .LBB2_1-.Ltmp1, $4  }
0x79: {  	[sflag:s29] =	ssyncadd.s32 $0xFFFFB000  }
0x7a: {  	_ =	swait.ge [sflag:s30], $0x5000  }
0x7b: {  	[sflag:s30] =	ssyncset.done $0x0  }
0x7c: {  	[sflag:s30] =	ssyncadd.s32 $0xFFFFB000  }
0x7d: {  	_ =	sfence.sel $0x180000  }
0x7e: {  	[bflag:$0x0] =	sbarrier.arrive $0xFFFF  }
0x7f: {  	_ =	strace $0x90000047  }
0x80: {  	s0 =	stileid.u32;
	[bflag:$0x2] =	sbarrier.arrive $0xFFFF  }
0x81: {  	p0 =	sne.s32 s0, $0x0;
	s0 =	rddreg [dreg:$0x2]  }
0x82: {  	s0 =	sadd.s32 @!p0 $0x100000, s0  }
0x83: {  	[sflag:s0] =	ssyncadd.tile.s32 @!p0 $0x1;
	_ =	shalt  }
.Lfunc_end2:
_tile_overlayer_lowered:
.L_overlay_start_2:
0x84: {  	(tag) =	ssettag $0x2  }
0x85: {  	s0 =	rddreg [dreg:$0x0];
	s2 =	stileid.u32  }
0x86: {  	s1 =	rddreg [dreg:$0x1];
	p0 =	sne.s32 s2, $0x0  }
0x87: {  	s3 =	rddreg [dreg:$0x2];
	[bflag:$0x3] =	sbarrier.arrive $0xFFFF;
	s2 =	simm.s32 @!p0 $0x1C09  }
0x88: {  	[timem:s3], [sflag:s2] =	dma.local @!p0 [hbm:s0], s1  }
0x89: {  	s0 =	simm.s32 @!p0 $0x9  }
0x8a: {  	_ =	swait.ge @!p0 [sflag:s0], s1  }
0x8b: {  	s1 =	ssub.s32 @!p0 $0x0, s1;
	[sflag:s0] =	ssyncset.done @!p0 $0x0  }
0x8c: {  	[sflag:s0] =	ssyncadd.s32 @!p0 s1  }
0x8d: {  	[bflag:$0x3] =	sbarrier.arrive $0xFFFF  }
0x8e: {  	_ =	shalt  }

// kernel: sparse-core-data-format-call.cloned.1.call-start
scs
called_computation_lowered:
.L_overlay_start_0:
0x0: {  	s2 =	sld [smem:$0x3FD9]  }
0x1: {  	s3 =	sld [smem:$0x3FFE];
	_ =	sdelay $0x1  }
0x2: {  	s1 =	srdreg.scid  }
0x3: {  	s0 =	sand.u32 $0x1, s1  }
0x4: {  	s18 =	sshll.u32 s0, $0xA;
	s2 =	sadd.s32 s3, s2  }
0x5: {  	s2 =	sadd.s32 s2, s18  }
0x6: {  	[smem:$0x3FC6] =	sst s2  }
0x7: {  	_ = 	snop  }
0x8: {  	s2 =	sld [smem:$0x3FD0];
	(tm) =	ssettm $0x1  }
0x9: {  	s19 =	sld [smem:$0x3FFB];
	_ =	sdelay $0x3  }
0xa: {  	_ =	strace s19  }
0xb: {  	s3 =	sld [smem:$0x3FFC];
	_ =	sdelay $0x3  }
0xc: {  	_ =	strace s3  }
0xd: {  	s3 =	sld [smem:$0x3FFD];
	_ =	sdelay $0x3  }
0xe: {  	_ =	strace s3  }
0xf: {  	_ =	strace $0x8FFFFFFF  }
0x10: {  	s20 =	sld [smem:$0x3FDB];
	_ =	sdelay $0x1  }
0x11: {  	s4 =	simm.s32 $_scs_section_size  }
0x12: {  	s5 =	simm.s32 $_size__tile_overlayer_lowered;
	s6 =	simm.s32 $_tile_overlayer_lowered  }
0x13: {  	s23 =	simm.s32 $0x1BFF;
	s22 =	sshll.u32 s6, $0x1;
	s3 =	sadd.s32 s4, s20  }
0x14: {  	s7 =	simm.s32 $0x0;
	s21 =	sshll.u32 s5, $0x1;
	s5 =	sadd.s32 s22, s3  }
0x15: {  	[timem:s7], [sflag:s23] =	dma.local [hbm:s5], s21  }
0x16: {  	_ =	swait.ge [sflag:s23], s21  }
0x17: {  	s4 =	ssub.s32 $0x0, s21;
	[sflag:s23] =	ssyncset.done $0x0  }
0x18: {  	[sflag:s23] =	ssyncadd.s32 s4;
	_ =	sdelay $0x1  }
0x19: {  	s24 =	simm.s32 $0x1B8B  }
0x1a: {  	_ =	swait.ge [sflag:s24], $0x1  }
0x1b: {  	[sflag:s24] =	ssyncset.done $0x0  }
0x1c: {  	s26 =	simm.s32 $0x1B8E;
	s25 =	sld [smem:$0x3FFE];
	[sflag:s24] =	ssyncadd.s32 $0xFFFFFFFF  }
0x1d: {  	s27 =	simm.s32 $execute0_lowered;
	[smem:$0x3FD2] =	sst s26  }
0x1e: {  	s5 =	sshll.u32 s27, $0x1;
	_ =	strace $0x80000049;
	[dreg:$0x1] =	wrdreg $0xFFFFFFFF  }
0x1f: {  	s28 =	simm.s32 $_size_execute0_lowered;
	s3 =	sadd.s32 s3, s5;
	[dreg:$0x0] =	wrdreg $0x0  }
0x20: {  	s5 =	sshll.u32 s28, $0x1;
	[dreg:$0x2] =	wrdreg s3  }
0x21: {  	[dreg:$0x3] =	wrdreg s5  }
0x22: {  	[dreg:$0x4] =	wrdreg $0xC0  }
0x23: {  	_ =	task [dreg:s7], $0x5FFFF  }
0x24: {  	[dreg:$0x1] =	wrdreg $0xFFFFFFFF  }
0x25: {  	[dreg:$0x0] =	wrdreg $0x60  }
0x26: {  	[dreg:$0x2] =	wrdreg s25  }
0x27: {  	[dreg:$0x3] =	wrdreg s2  }
0x28: {  	[dreg:$0x4] =	wrdreg $0x9  }
0x29: {  	_ =	task.clear_ibuf [dreg:s7], $0x5FFFF;
	_ =	strace $0x90000049  }
0x2a: {  	s29 =	simm.s32 $0x9;
	_ =	strace $0x8000004B  }
0x2b: {  	_ =	swait.ge [sflag:s29], $0x1  }
0x2c: {  	[sflag:s29] =	ssyncadd.s32 $0xFFFFFFFF  }
0x2d: {  	_ =	strace $0x9000004B  }
0x2e: {  	_ =	sfence  }
0x2f: {  	s30 =	sld [smem:$0x0];
	_ =	sdelay $0x2  }
0x30: {  	s31 =	sshll.u32 s1, $0xD;
	s1 =	sshrl.u32 s1, $0x2  }
0x31: {  	s3 =	sand.u32 $0x4000, s31;
	s1 =	sadd.s32 s1, s30  }
0x32: {  	s0 =	sor.u32 s3, s0;
	s1 =	sshll.u32 s1, $0x11  }
0x33: {  	s0 =	sor.u32 s1, s0  }
0x34: {  	s0 =	sadd.s32 $0x8F2B, s0  }
0x35: {  	[sflag:s0] =	ssyncadd.remote.s32 $0x1  }
0x36: {  	_ =	sfence.sel $0xFFFF  }
0x37: {  	[dreg:$0x0] =	wrdreg $0xFFFFFFFF;
	(pc) =	sbr.abs _section_cstart, $3  }
0x38: {  	[dreg:$0x1] =	wrdreg $0xFFFFFFFF  }
0x39: {  	_ =	task.clear_ibuf [dreg:s7], $0x2FFFF;
	_ =	strace $0x9FFFFFFF  }
0x3a: {  	(tm) =	ssettm $0x7FFFFFFF  }
0x3b: {  	_ =	shalt  }
tec
execute0_lowered:
.L_overlay_start_1:
0x0: {  	(tag) =	ssettag $0x1  }
0x1: {  	s0 =	srdreg.scid  }
0x2: {  	s1 =	sshll.u32 s0, $0x4  }
0x3: {  	s0 =	stileid.u32;
	s1 =	sand.u32 $0x10, s1  }
0x4: {  	s1 =	sor.u32 s0, s1  }
0x5: {  	s6 =	rddreg [dreg:$0x0];
	s4 =	simm.s32 $0x1;
	s2 =	sshll.u32 s1, $0x7  }
0x6: {  	s7 =	simm.s32 $0x2;
	s12 =	simm.s32 $0x0;
	s1 =	ssub.s32 $0x4000, s2  }
0x7: {  	s8 =	simm.s32 $0x20000;
	s13 =	simm.s32 $0x0;
	s3 =	sand.u32 $0xF80, s1  }
0x8: {  	s9 =	simm.s32 $0x0;
	s5 =	sshrl.u32 s1, $0xC;
	p0 =	sne.s32 s3, $0x0  }
.Ltmp0:
0x9: {  	s1 =	rddreg [dreg:$0x2];
	s4 =	simm.s32 @!p0 $0x0;
	(pc) =	sbr.rel .LBB1_1-.Ltmp0, $4  }
0xa: {  	s11 =	simm.s32 $0x0;
	s3 =	rddreg [dreg:$0x1];
	s5 =	sadd.s32 s4, s5  }
0xb: {  	_ =	strace $0x8000004A;
	s4 =	simm.s32 $0x1;
	s5 =	smul.u32 $0x32, s5  }
0xc: {  	s6 =	sadd.s32 $0xA00, s6;
	s10 =	smov.u32 s2;
	[sflag:s4] =	ssyncpa.u1 $0x0  }
0xd: {  	p0 =	por $0x0, $0x0;
	[sflag:s7] =	ssyncpa.u1 $0x0;
	s7 =	sor.u32 $0x1, s5  }
.LBB1_4:
0xe: {  	s16 =	sshll.u32 s13, $0x3;
	s17 =	sand.u32 $0x78, s13  }
0xf: {  	s30 =	sand.u32 $0x1F800, s13;
	s12 =	sshll.u32 s12, $0x11;
	s16 =	sand.u32 $0x3C00, s16  }
0x10: {  	[tilespmem:s15+$0x810 ss:$0x81] =	vst.msk $0xffff, v2;
	s31 =	sand.u32 $0x7, s13;
	s16 =	sor.u32 s17, s16;
	s17 =	sadd.s32 s3, s30  }
0x11: {  	[tilespmem:s15+$0x1020 ss:$0x81] =	vst.msk $0xffff, v0;
	s13 =	sshll.u32 s31, $0x12;
	s12 =	sadd.s32 s12, s17;
	s16 =	sshrl.u32 s16, $0x3  }
0x12: {  	[tilespmem:s15+$0x0 ss:$0x81] =	vst.msk $0xffff, v1;
	s13 =	sor.u32 $0x400, s13;
	s12 =	sadd.s32 s16, s12  }
0x13: {  	[hbm4b:s12+s13] =	stream.strided.scatter [tilespmem:s14], [sflag:$0x2], $0x2000, s8, s13, $0x20;
	[tilespmem:$0x8080] =	vst v63  }
.LBB1_5:
0x14: {  	s14 =	sadd.s32 $0x1, s9  }
0x15: {  	s12 =	sadd.s32 $0x1000, s10;
	s16 =	smov.u32 s10;
	p2 =	sgt.s32 s14, $0x31  }
0x16: {  	s16 =	smov.u32 @p2 s12  }
0x17: {  	s14 =	simm.s32 @p2 $0x0;
	p2 =	sgt.s32 s16, $0x3FFF  }
0x18: {  	s16 =	smov.u32 @p2 s2;
	p2 =	sne.s32 s11, s7  }
.Ltmp1:
0x19: {  	p1 =	slt.u32 s11, $0x2;
	(pc) =	sbr.rel @!p2 .LBB1_6-.Ltmp1, $4  }
0x1a: {  	s15 =	simm.s32 @!p1 $0x2  }
0x1b: {  	s13 =	smov.u32 s10;
	p0 =	por !p0, !p0;
	_ =	swait.ge @!p1 [sflag:s15], $0x2000  }
0x1c: {  	s12 =	smov.u32 s9;
	[sflag:s15] =	ssyncset.done @!p1 $0x0;
	s9 =	smov.u32 s14  }
0x1d: {  	s11 =	sadd.s32 $0x1, s11;
	[sflag:s15] =	ssyncadd.s32 @!p1 $0xFFFFE000;
	s10 =	smov.u32 s16  }
.LBB1_1:
0x1e: {  	p1 =	sge.u32 s11, s5  }
0x1f: {  	s14 =	sand.u32 @!p1 $0x1FFFFFF, s9  }
0x20: {  	s15 =	smulhi.u32 @!p1 $0x4924925, s14;
	_ =	sdelay $0x1  }
0x21: {  	s15 =	smul.u32 @!p1 $0x38, s15  }
0x22: {  	s16 =	sxor.u32 @!p1 $0xFFFFFFFF, s11;
	s17 =	smul.u32 @!p1 $0x380, s10  }
0x23: {  	s31 =	sadd.s32 $0xFFFFFFFF, s11;
	s16 =	sshll.u32 @!p1 s16, $0xD;
	s14 =	ssub.s32 @!p1 s14, s15  }
0x24: {  	s15 =	sand.u32 @!p1 $0x2000, s16;
	s16 =	sadd.s32 @!p1 s6, s17;
	s14 =	sshll.u32 @!p1 s14, $0x4  }
0x25: {  	s17 =	simm.s32 @!p1 $0x1C00;
	s14 =	sadd.s32 @!p1 s14, s16;
	s16 =	simm.s32 @!p1 $0x40  }
0x26: {  	[tilespmem:s15], [sflag:$0x1] =	stream.strided.gather @!p1 [hbm4b:s14+s16], $0x2000, s17, s16, $0x38;
	[tilespmem:$0x8080] =	vst v63  }
0x27: {  	p1 =	sge.u32 s31, s5  }
.Ltmp2:
0x28: {  	_ = 	snop;
	(pc) =	sbr.rel @p1 .LBB1_5-.Ltmp2, $1  }
0x29: {  	_ =	sdelay $0x3  }
0x2a: {  	s14 =	simm.s32 $0x1  }
0x2b: {  	_ =	swait.ge [sflag:s4], $0x2000;
	s14 =	simm.s32 @!p0 $0x0  }
0x2c: {  	[sflag:s4] =	ssyncset.done $0x0;
	s15 =	sshll.u32 s14, $0xD  }
0x2d: {  	[sflag:s4] =	ssyncadd.s32 $0xFFFFE000;
	s18 =	sor.u32 $0x20, s15  }
0x2e: {  	s14 =	smul.u32 $0x8100, s14;
	v3 =	vld [tilespmem:s18+$0x10]  }
0x2f: {  	s30 =	sand.u32 $0x1, s11;
	v2 =	vld [tilespmem:s18+$0xFFFFFFF0]  }
0x30: {  	s15 =	smul.u32 $0x8100, s30;
	s14 =	sshrl.u32 s14, $0x2;
	v0 =	vld [tilespmem:s18+$0x0]  }
0x31: {  	v1 =	vld [tilespmem:s18+$0xFFFFFFE0];
	s16 =	sor.u32 $0x4000, s14  }
0x32: {  	s31 =	sshrl.u32 s15, $0x2;
	s15 =	sadd.s32 $0x0, s16  }
0x33: {  	s17 =	simm.s32 $0x4;
	s18 =	sadd.s32 $0x40, s18;
	s14 =	sor.u32 $0x4000, s31;
	[tilespmem:s15+$0x1830 ss:$0x81] =	vst.msk $0xffff, v3  }
.LBB1_3:
0x34: {  	v3 =	vld [tilespmem:s18+$0x10];
	p1 =	sne.s32 s17, $0x1FC;
	[tilespmem:s15+$0x810 ss:$0x81] =	vst.msk $0xffff, v2;
	s19 =	smov.u32 s17;
	s17 =	sadd.s32 $0x4, s17  }
.Ltmp3:
0x35: {  	v2 =	vld [tilespmem:s18+$0xFFFFFFF0];
	[tilespmem:s15+$0x1020 ss:$0x81] =	vst.msk $0xffff, v0;
	(pc) =	sbr.rel @p1 .LBB1_3-.Ltmp3, $4  }
0x36: {  	v0 =	vld [tilespmem:s18+$0x0];
	[tilespmem:s15+$0x0 ss:$0x81] =	vst.msk $0xffff, v1  }
0x37: {  	s15 =	sshra.s32 s19, $0x2;
	v1 =	vld [tilespmem:s18+$0xFFFFFFE0]  }
0x38: {  	s15 =	sadd.s32 s15, s16  }
0x39: {  	s18 =	sadd.s32 $0x40, s18;
	[tilespmem:s15+$0x1830 ss:$0x81] =	vst.msk $0xffff, v3  }
.Ltmp4:
0x3a: {  	_ = 	snop;
	(pc) =	sbr.rel .LBB1_4-.Ltmp4, $1  }
0x3b: {  	_ =	sdelay $0x3  }
.LBB1_6:
0x3c: {  	_ =	sfence.sel $0x180000  }
0x3d: {  	s2 =	simm.s32 $0x1;
	[bflag:$0x0] =	sbarrier.arrive $0xFFFF  }
0x3e: {  	s31 =	simm.s32 $0x2;
	[sflag:s2] =	ssyncpa.u1 $0x1  }
0x3f: {  	[sflag:s31] =	ssyncpa.u1 $0x1  }
0x40: {  	p0 =	sne.s32 s0, $0x0;
	_ =	strace $0x9000004A  }
0x41: {  	s0 =	sadd.s32 @!p0 $0x100000, s1;
	[bflag:$0x2] =	sbarrier.arrive $0xFFFF  }
0x42: {  	[sflag:s0] =	ssyncadd.tile.s32 @!p0 $0x1;
	_ =	shalt  }
.Lfunc_end1:
_tile_overlayer_lowered:
.L_overlay_start_2:
0x43: {  	(tag) =	ssettag $0x2  }
0x44: {  	s0 =	rddreg [dreg:$0x0];
	s2 =	stileid.u32  }
0x45: {  	s1 =	rddreg [dreg:$0x1];
	p0 =	sne.s32 s2, $0x0  }
0x46: {  	s3 =	rddreg [dreg:$0x2];
	[bflag:$0x3] =	sbarrier.arrive $0xFFFF;
	s2 =	simm.s32 @!p0 $0x1C01  }
0x47: {  	[timem:s3], [sflag:s2] =	dma.local @!p0 [hbm:s0], s1  }
0x48: {  	s0 =	simm.s32 @!p0 $0x1  }
0x49: {  	_ =	swait.ge @!p0 [sflag:s0], s1  }
0x4a: {  	s1 =	ssub.s32 @!p0 $0x0, s1;
	[sflag:s0] =	ssyncset.done @!p0 $0x0  }
0x4b: {  	[sflag:s0] =	ssyncadd.s32 @!p0 s1  }
0x4c: {  	[bflag:$0x3] =	sbarrier.arrive $0xFFFF  }
0x4d: {  	_ =	shalt  }

</sc_bundles>
